<compile_context>
chip_gen: v7x
topology: tpu7x:2x2x1
jax: 0.10.2.dev20260603
libtpu: 0.0.44.dev20260713+nightly
codegen_flags: <defaults>
</compile_context>

<pallas_src>
import functools

import jax
import jax.numpy as jnp
from jax import lax
from jax.experimental import pallas as pl
from jax.experimental.pallas import tpu as pltpu
from jax.experimental.pallas import tpu_sc as plsc

D_MODEL = 1024
SCALE = float(D_MODEL) ** 0.5
L = 16
NC = 2
NS = 16
NW = NC * NS
CH = 32
NBUF = 3
UJ = 8


@functools.lru_cache(maxsize=None)
def _make_sc_kernel(V, D, S, B, PEMAX):
  BF = S * B
  R = BF // NW
  NCH = R // CH
  SR = CH // B
  mesh = plsc.VectorSubcoreMesh(core_axis_name="c", subcore_axis_name="s")

  @functools.partial(
      pl.kernel,
      mesh=mesh,
      out_type=jax.ShapeDtypeStruct((S, B, D), jnp.float32),
      scratch_types=(
          [pltpu.VMEM((R,), jnp.int32)]
          + [pltpu.VMEM((CH, D), jnp.float32) for _ in range(NBUF)]
          + [pltpu.VMEM((SR, D), jnp.float32) for _ in range(NBUF)]
          + [pltpu.SemaphoreType.DMA for _ in range(2 * NBUF)]
      ),
  )
  def k(w_hbm, idx_hbm, pe_hbm, out_hbm, idx_v, *bufs):
    rows_b = bufs[:NBUF]
    pe_b = bufs[NBUF:2 * NBUF]
    gs = bufs[2 * NBUF:3 * NBUF]
    ws = bufs[3 * NBUF:4 * NBUF]

    pe2 = pe_hbm.reshape(PEMAX, D)
    out2 = out_hbm.reshape(BF, D)
    wid = lax.axis_index("s") * NC + lax.axis_index("c")
    base = pl.multiple_of(wid * R, R)
    sbase = pl.multiple_of(wid * (R // B), R // B)
    pltpu.sync_copy(idx_hbm.at[pl.ds(base, R)], idx_v)
    idx_f = idx_v

    def start_load(c):
      buf = c % NBUF
      pe_row0 = pl.multiple_of(sbase + c * SR, SR)
      g1 = pltpu.async_copy(
          w_hbm.at[idx_f.at[pl.ds(c * CH, CH)]], rows_b[buf], gs[buf])
      g2 = pltpu.async_copy(pe2.at[pl.ds(pe_row0, SR)], pe_b[buf], gs[buf])
      return (g1, g2)

    def compute(rows_v, pe_v):
      def s_body(s_loc, carry):
        def j_body(jo, carry2):
          col0 = jo * (UJ * L)
          for ju in range(UJ):
            col = pl.multiple_of(col0 + ju * L, L)
            pe_reg = pe_v[s_loc, pl.ds(col, L)]
            for b in range(B):
              r = s_loc * B + b
              rows_v[r, pl.ds(col, L)] = rows_v[r, pl.ds(col, L)] * SCALE + pe_reg
          return carry2
        lax.fori_loop(0, (D // L) // UJ, j_body, 0)
        return carry
      lax.fori_loop(0, SR, s_body, 0)

    loads = [None] * NCH
    wbs = [None] * NCH
    loads[0] = start_load(0)
    if NCH > 1:
      loads[1] = start_load(1)
    for c in range(NCH):
      buf = c % NBUF
      row0 = pl.multiple_of(base + c * CH, CH)
      for g in loads[c]:
        g.wait()
      if c + 2 < NCH:
        if c >= 1:
          wbs[c - 1].wait()
        loads[c + 2] = start_load(c + 2)
      wbs[c] = pltpu.async_copy(rows_b[buf], out2.at[pl.ds(row0, CH)], ws[buf])
    for c in range(max(0, NCH - 3), NCH):
      wbs[c].wait()

  return k


def kernel(x, W, pe):
  S, B = x.shape
  V, D = W.shape
  return _make_sc_kernel(V, D, S, B, pe.shape[0])(W, x.reshape(S * B), pe)

# --- scband reference (transcript-rebuilt; emitter-appended) ---
"""Pipeline reference for scband-embeddings-with-positional-encoding-13864154431551 (READ-ONLY COPY).

The authoritative reference and input builder live on the scoring server;
editing this copy changes nothing except your own understanding.
"""

import jax, jax.numpy as jnp
import numpy as np

D_MODEL = 1024
N_VOCAB = 100000
MAX_LEN = 4096
SEQ_LEN = 2048
BATCH = 4


def get_positional_encoding(d_model, max_len):
    position = np.arange(max_len, dtype=np.float32)[:, None]
    div_term = np.exp(np.arange(0, d_model, 2, dtype=np.float32) * -(np.log(10000.0) / d_model))
    pe = np.zeros((max_len, 1, d_model), dtype=np.float32)
    pe[:, 0, 0::2] = np.sin(position * div_term)
    pe[:, 0, 1::2] = np.cos(position * div_term)
    return jnp.asarray(pe)


def setup_inputs(seed: int = 0) -> dict:
    key = jax.random.key(seed)
    k1, k2 = jax.random.split(key)
    x = jax.random.randint(k1, (SEQ_LEN, BATCH), 0, N_VOCAB, dtype=jnp.int32)
    W = jax.random.normal(k2, (N_VOCAB, D_MODEL), dtype=jnp.float32)
    pe = get_positional_encoding(D_MODEL, MAX_LEN)
    return {"x": x, "W": W, "pe": pe}


def reference(x, W, pe):
    # emb lookup -> scale by sqrt(d_model) -> add (non-learned) positional encoding
    emb = jnp.take(W, x, axis=0)  # [seq, batch, d_model]
    out = emb * (D_MODEL ** 0.5) + pe[: x.shape[0], :, :]
    return out

if __name__ == "__main__":
    import jax
    _d = setup_inputs()
    print(jax.jit(kernel)(*tuple(_d.values())))

</pallas_src>

<mosaic_0001>
#map = affine_map<(d0, d1) -> (0, 0)>
#map1 = affine_map<(d0, d1) -> (0)>
#map2 = affine_map<(d0, d1) -> (0, 0, 0)>
module attributes {stable_mosaic.version = 14 : i64} {
  func.func @k(%arg0: i32, %arg1: i32, %arg2: memref<100000x1024xf32, #tpu.memory_space<hbm>>, %arg3: memref<8192xi32, #tpu.memory_space<hbm>>, %arg4: memref<4096x1x1024xf32, #tpu.memory_space<hbm>>, %arg5: memref<2048x4x1024xf32, #tpu.memory_space<hbm>>, %arg6: memref<256xi32, #tpu.memory_space<vmem>>, %arg7: memref<32x1024xf32, #tpu.memory_space<vmem>>, %arg8: memref<32x1024xf32, #tpu.memory_space<vmem>>, %arg9: memref<32x1024xf32, #tpu.memory_space<vmem>>, %arg10: memref<8x1024xf32, #tpu.memory_space<vmem>>, %arg11: memref<8x1024xf32, #tpu.memory_space<vmem>>, %arg12: memref<8x1024xf32, #tpu.memory_space<vmem>>, %arg13: memref<!tpu.dma_semaphore, #tpu.memory_space<semaphore_mem>>, %arg14: memref<!tpu.dma_semaphore, #tpu.memory_space<semaphore_mem>>, %arg15: memref<!tpu.dma_semaphore, #tpu.memory_space<semaphore_mem>>, %arg16: memref<!tpu.dma_semaphore, #tpu.memory_space<semaphore_mem>>, %arg17: memref<!tpu.dma_semaphore, #tpu.memory_space<semaphore_mem>>, %arg18: memref<!tpu.dma_semaphore, #tpu.memory_space<semaphore_mem>>) attributes {dimension_semantics = [#tpu.dimension_semantics<core_parallel>, #tpu.dimension_semantics<subcore_parallel>], iteration_bounds = array<i64: 2, 16>, scalar_prefetch = 0 : i64, scratch_operands = 13 : i64, tpu.core_type = #tpu.core_type<sc_vector_subcore>, window_params = [{transform_indices = #map}, {transform_indices = #map1}, {transform_indices = #map2}, {transform_indices = #map2}]} {
    %mul3A = arith.constant 2 : i32
    %mul3A_0 = arith.muli %arg1, %mul3A : i32
    %add3A = arith.addi %mul3A_0, %arg0 : i32
    %mul3A_1 = arith.constant 256 : i32
    %mul3A_2 = arith.muli %add3A, %mul3A_1 : i32
    %multiple_of3A = tpu.assume_multiple %mul3A_2, 256 : i32
    %mul3A_3 = arith.constant 64 : i32
    %mul3A_4 = arith.muli %add3A, %mul3A_3 : i32
    %multiple_of3A_5 = tpu.assume_multiple %mul3A_4, 64 : i32
    "tpu.region"() ({
      %run_scoped3A = tpu.sem_alloc : memref<!tpu.dma_semaphore, #tpu.memory_space<semaphore_mem>>
      %dma_start3A_324 = tpu.memref_slice %arg3[%multiple_of3A] : memref<8192xi32, #tpu.memory_space<hbm>> -> memref<256xi32, #tpu.memory_space<hbm>>
      %dma_start3A_325 = tpu.memref_slice %arg3[%multiple_of3A] : memref<8192xi32, #tpu.memory_space<hbm>> -> memref<256xi32, #tpu.memory_space<hbm>>
      tpu.enqueue_dma source(%dma_start3A_325 : memref<256xi32, #tpu.memory_space<hbm>>) target(%arg6 : memref<256xi32, #tpu.memory_space<vmem>>) target_semaphore(%run_scoped3A : memref<!tpu.dma_semaphore, #tpu.memory_space<semaphore_mem>>)
      %dma_wait3A_326 = tpu.memref_slice %arg3[%multiple_of3A] : memref<8192xi32, #tpu.memory_space<hbm>> -> memref<256xi32, #tpu.memory_space<hbm>>
      %dma_wait3A_327 = tpu.memref_slice %arg3[%multiple_of3A] : memref<8192xi32, #tpu.memory_space<hbm>> -> memref<256xi32, #tpu.memory_space<hbm>>
      tpu.wait_dma2 semaphore(%run_scoped3A : memref<!tpu.dma_semaphore, #tpu.memory_space<semaphore_mem>>) src(%dma_wait3A_327 : memref<256xi32, #tpu.memory_space<hbm>>) dst(%arg6 : memref<256xi32, #tpu.memory_space<vmem>>)
      tpu.yield
    }) : () -> ()
    %add3A_6 = arith.constant 0 : i32
    %add3A_7 = arith.addi %multiple_of3A_5, %add3A_6 : i32
    %multiple_of3A_8 = tpu.assume_multiple %add3A_7, 8 : i32
    %dma_start3A = arith.constant 0 : i32
    %dma_start3A_9 = tpu.memref_slice %arg6[%dma_start3A] : memref<256xi32, #tpu.memory_space<vmem>> -> memref<32xi32, #tpu.memory_space<vmem>>
    %dma_start3A_10 = arith.constant 0 : i32
    %dma_start3A_11 = arith.constant 0 : i32
    %dma_start3A_12 = tpu.memref_slice %arg2[%dma_start3A_10, %dma_start3A_11] : memref<100000x1024xf32, #tpu.memory_space<hbm>> -> memref<100000x1024xf32, #tpu.memory_space<hbm>>
    tpu.enqueue_indirect_dma source(%dma_start3A_12 : memref<100000x1024xf32, #tpu.memory_space<hbm>>) target(%arg7 : memref<32x1024xf32, #tpu.memory_space<vmem>>) offsets(%dma_start3A_9 : memref<32xi32, #tpu.memory_space<vmem>>) semaphore(%arg13 : memref<!tpu.dma_semaphore, #tpu.memory_space<semaphore_mem>>)
    %dma_start3A_13 = tpu.memref_reshape %arg4 : memref<4096x1x1024xf32, #tpu.memory_space<hbm>> -> memref<4096x1024xf32, #tpu.memory_space<hbm>>
    %dma_start3A_14 = arith.constant 0 : i32
    %dma_start3A_15 = tpu.memref_slice %dma_start3A_13[%multiple_of3A_8, %dma_start3A_14] : memref<4096x1024xf32, #tpu.memory_space<hbm>> -> memref<8x1024xf32, #tpu.memory_space<hbm>>
    %dma_start3A_16 = tpu.memref_reshape %arg4 : memref<4096x1x1024xf32, #tpu.memory_space<hbm>> -> memref<4096x1024xf32, #tpu.memory_space<hbm>>
    %dma_start3A_17 = arith.constant 0 : i32
    %dma_start3A_18 = tpu.memref_slice %dma_start3A_16[%multiple_of3A_8, %dma_start3A_17] : memref<4096x1024xf32, #tpu.memory_space<hbm>> -> memref<8x1024xf32, #tpu.memory_space<hbm>>
    tpu.enqueue_dma source(%dma_start3A_18 : memref<8x1024xf32, #tpu.memory_space<hbm>>) target(%arg10 : memref<8x1024xf32, #tpu.memory_space<vmem>>) target_semaphore(%arg13 : memref<!tpu.dma_semaphore, #tpu.memory_space<semaphore_mem>>)
    %add3A_19 = arith.constant 8 : i32
    %add3A_20 = arith.addi %multiple_of3A_5, %add3A_19 : i32
    %multiple_of3A_21 = tpu.assume_multiple %add3A_20, 8 : i32
    %dma_start3A_22 = arith.constant 32 : i32
    %dma_start3A_23 = tpu.memref_slice %arg6[%dma_start3A_22] : memref<256xi32, #tpu.memory_space<vmem>> -> memref<32xi32, #tpu.memory_space<vmem>>
    %dma_start3A_24 = arith.constant 0 : i32
    %dma_start3A_25 = arith.constant 0 : i32
    %dma_start3A_26 = tpu.memref_slice %arg2[%dma_start3A_24, %dma_start3A_25] : memref<100000x1024xf32, #tpu.memory_space<hbm>> -> memref<100000x1024xf32, #tpu.memory_space<hbm>>
    tpu.enqueue_indirect_dma source(%dma_start3A_26 : memref<100000x1024xf32, #tpu.memory_space<hbm>>) target(%arg8 : memref<32x1024xf32, #tpu.memory_space<vmem>>) offsets(%dma_start3A_23 : memref<32xi32, #tpu.memory_space<vmem>>) semaphore(%arg14 : memref<!tpu.dma_semaphore, #tpu.memory_space<semaphore_mem>>)
    %dma_start3A_27 = tpu.memref_reshape %arg4 : memref<4096x1x1024xf32, #tpu.memory_space<hbm>> -> memref<4096x1024xf32, #tpu.memory_space<hbm>>
    %dma_start3A_28 = arith.constant 0 : i32
    %dma_start3A_29 = tpu.memref_slice %dma_start3A_27[%multiple_of3A_21, %dma_start3A_28] : memref<4096x1024xf32, #tpu.memory_space<hbm>> -> memref<8x1024xf32, #tpu.memory_space<hbm>>
    %dma_start3A_30 = tpu.memref_reshape %arg4 : memref<4096x1x1024xf32, #tpu.memory_space<hbm>> -> memref<4096x1024xf32, #tpu.memory_space<hbm>>
    %dma_start3A_31 = arith.constant 0 : i32
    %dma_start3A_32 = tpu.memref_slice %dma_start3A_30[%multiple_of3A_21, %dma_start3A_31] : memref<4096x1024xf32, #tpu.memory_space<hbm>> -> memref<8x1024xf32, #tpu.memory_space<hbm>>
    tpu.enqueue_dma source(%dma_start3A_32 : memref<8x1024xf32, #tpu.memory_space<hbm>>) target(%arg11 : memref<8x1024xf32, #tpu.memory_space<vmem>>) target_semaphore(%arg14 : memref<!tpu.dma_semaphore, #tpu.memory_space<semaphore_mem>>)
    %add3A_33 = arith.constant 0 : i32
    %add3A_34 = arith.addi %multiple_of3A, %add3A_33 : i32
    %multiple_of3A_35 = tpu.assume_multiple %add3A_34, 32 : i32
    %dma_wait3A = arith.constant 0 : i32
    %dma_wait3A_36 = tpu.memref_slice %arg6[%dma_wait3A] : memref<256xi32, #tpu.memory_space<vmem>> -> memref<32xi32, #tpu.memory_space<vmem>>
    %dma_wait3A_37 = arith.constant 0 : i32
    %dma_wait3A_38 = arith.constant 0 : i32
    %dma_wait3A_39 = tpu.memref_slice %arg2[%dma_wait3A_37, %dma_wait3A_38] : memref<100000x1024xf32, #tpu.memory_space<hbm>> -> memref<100000x1024xf32, #tpu.memory_space<hbm>>
    tpu.wait_indirect_dma semaphore(%arg13 : memref<!tpu.dma_semaphore, #tpu.memory_space<semaphore_mem>>) src(%dma_wait3A_39 : memref<100000x1024xf32, #tpu.memory_space<hbm>>) dst(%arg7 : memref<32x1024xf32, #tpu.memory_space<vmem>>)
    %dma_wait3A_40 = tpu.memref_reshape %arg4 : memref<4096x1x1024xf32, #tpu.memory_space<hbm>> -> memref<4096x1024xf32, #tpu.memory_space<hbm>>
    %dma_wait3A_41 = arith.constant 0 : i32
    %dma_wait3A_42 = tpu.memref_slice %dma_wait3A_40[%multiple_of3A_8, %dma_wait3A_41] : memref<4096x1024xf32, #tpu.memory_space<hbm>> -> memref<8x1024xf32, #tpu.memory_space<hbm>>
    %dma_wait3A_43 = tpu.memref_reshape %arg4 : memref<4096x1x1024xf32, #tpu.memory_space<hbm>> -> memref<4096x1024xf32, #tpu.memory_space<hbm>>
    %dma_wait3A_44 = arith.constant 0 : i32
    %dma_wait3A_45 = tpu.memref_slice %dma_wait3A_43[%multiple_of3A_8, %dma_wait3A_44] : memref<4096x1024xf32, #tpu.memory_space<hbm>> -> memref<8x1024xf32, #tpu.memory_space<hbm>>
    tpu.wait_dma2 semaphore(%arg13 : memref<!tpu.dma_semaphore, #tpu.memory_space<semaphore_mem>>) src(%dma_wait3A_45 : memref<8x1024xf32, #tpu.memory_space<hbm>>) dst(%arg10 : memref<8x1024xf32, #tpu.memory_space<vmem>>)
    %add3A_46 = arith.constant 16 : i32
    %add3A_47 = arith.addi %multiple_of3A_5, %add3A_46 : i32
    %multiple_of3A_48 = tpu.assume_multiple %add3A_47, 8 : i32
    %dma_start3A_49 = arith.constant 64 : i32
    %dma_start3A_50 = tpu.memref_slice %arg6[%dma_start3A_49] : memref<256xi32, #tpu.memory_space<vmem>> -> memref<32xi32, #tpu.memory_space<vmem>>
    %dma_start3A_51 = arith.constant 0 : i32
    %dma_start3A_52 = arith.constant 0 : i32
    %dma_start3A_53 = tpu.memref_slice %arg2[%dma_start3A_51, %dma_start3A_52] : memref<100000x1024xf32, #tpu.memory_space<hbm>> -> memref<100000x1024xf32, #tpu.memory_space<hbm>>
    tpu.enqueue_indirect_dma source(%dma_start3A_53 : memref<100000x1024xf32, #tpu.memory_space<hbm>>) target(%arg9 : memref<32x1024xf32, #tpu.memory_space<vmem>>) offsets(%dma_start3A_50 : memref<32xi32, #tpu.memory_space<vmem>>) semaphore(%arg15 : memref<!tpu.dma_semaphore, #tpu.memory_space<semaphore_mem>>)
    %dma_start3A_54 = tpu.memref_reshape %arg4 : memref<4096x1x1024xf32, #tpu.memory_space<hbm>> -> memref<4096x1024xf32, #tpu.memory_space<hbm>>
    %dma_start3A_55 = arith.constant 0 : i32
    %dma_start3A_56 = tpu.memref_slice %dma_start3A_54[%multiple_of3A_48, %dma_start3A_55] : memref<4096x1024xf32, #tpu.memory_space<hbm>> -> memref<8x1024xf32, #tpu.memory_space<hbm>>
    %dma_start3A_57 = tpu.memref_reshape %arg4 : memref<4096x1x1024xf32, #tpu.memory_space<hbm>> -> memref<4096x1024xf32, #tpu.memory_space<hbm>>
    %dma_start3A_58 = arith.constant 0 : i32
    %dma_start3A_59 = tpu.memref_slice %dma_start3A_57[%multiple_of3A_48, %dma_start3A_58] : memref<4096x1024xf32, #tpu.memory_space<hbm>> -> memref<8x1024xf32, #tpu.memory_space<hbm>>
    tpu.enqueue_dma source(%dma_start3A_59 : memref<8x1024xf32, #tpu.memory_space<hbm>>) target(%arg12 : memref<8x1024xf32, #tpu.memory_space<vmem>>) target_semaphore(%arg15 : memref<!tpu.dma_semaphore, #tpu.memory_space<semaphore_mem>>)
    %dma_start3A_60 = tpu.memref_reshape %arg5 : memref<2048x4x1024xf32, #tpu.memory_space<hbm>> -> memref<8192x1024xf32, #tpu.memory_space<hbm>>
    %dma_start3A_61 = arith.constant 0 : i32
    %dma_start3A_62 = tpu.memref_slice %dma_start3A_60[%multiple_of3A_35, %dma_start3A_61] : memref<8192x1024xf32, #tpu.memory_space<hbm>> -> memref<32x1024xf32, #tpu.memory_space<hbm>>
    %dma_start3A_63 = tpu.memref_reshape %arg5 : memref<2048x4x1024xf32, #tpu.memory_space<hbm>> -> memref<8192x1024xf32, #tpu.memory_space<hbm>>
    %dma_start3A_64 = arith.constant 0 : i32
    %dma_start3A_65 = tpu.memref_slice %dma_start3A_63[%multiple_of3A_35, %dma_start3A_64] : memref<8192x1024xf32, #tpu.memory_space<hbm>> -> memref<32x1024xf32, #tpu.memory_space<hbm>>
    tpu.enqueue_dma source(%arg7 : memref<32x1024xf32, #tpu.memory_space<vmem>>) target(%dma_start3A_65 : memref<32x1024xf32, #tpu.memory_space<hbm>>) target_semaphore(%arg16 : memref<!tpu.dma_semaphore, #tpu.memory_space<semaphore_mem>>)
    %add3A_66 = arith.constant 32 : i32
    %add3A_67 = arith.addi %multiple_of3A, %add3A_66 : i32
    %multiple_of3A_68 = tpu.assume_multiple %add3A_67, 32 : i32
    %dma_wait3A_69 = arith.constant 32 : i32
    %dma_wait3A_70 = tpu.memref_slice %arg6[%dma_wait3A_69] : memref<256xi32, #tpu.memory_space<vmem>> -> memref<32xi32, #tpu.memory_space<vmem>>
    %dma_wait3A_71 = arith.constant 0 : i32
    %dma_wait3A_72 = arith.constant 0 : i32
    %dma_wait3A_73 = tpu.memref_slice %arg2[%dma_wait3A_71, %dma_wait3A_72] : memref<100000x1024xf32, #tpu.memory_space<hbm>> -> memref<100000x1024xf32, #tpu.memory_space<hbm>>
    tpu.wait_indirect_dma semaphore(%arg14 : memref<!tpu.dma_semaphore, #tpu.memory_space<semaphore_mem>>) src(%dma_wait3A_73 : memref<100000x1024xf32, #tpu.memory_space<hbm>>) dst(%arg8 : memref<32x1024xf32, #tpu.memory_space<vmem>>)
    %dma_wait3A_74 = tpu.memref_reshape %arg4 : memref<4096x1x1024xf32, #tpu.memory_space<hbm>> -> memref<4096x1024xf32, #tpu.memory_space<hbm>>
    %dma_wait3A_75 = arith.constant 0 : i32
    %dma_wait3A_76 = tpu.memref_slice %dma_wait3A_74[%multiple_of3A_21, %dma_wait3A_75] : memref<4096x1024xf32, #tpu.memory_space<hbm>> -> memref<8x1024xf32, #tpu.memory_space<hbm>>
    %dma_wait3A_77 = tpu.memref_reshape %arg4 : memref<4096x1x1024xf32, #tpu.memory_space<hbm>> -> memref<4096x1024xf32, #tpu.memory_space<hbm>>
    %dma_wait3A_78 = arith.constant 0 : i32
    %dma_wait3A_79 = tpu.memref_slice %dma_wait3A_77[%multiple_of3A_21, %dma_wait3A_78] : memref<4096x1024xf32, #tpu.memory_space<hbm>> -> memref<8x1024xf32, #tpu.memory_space<hbm>>
    tpu.wait_dma2 semaphore(%arg14 : memref<!tpu.dma_semaphore, #tpu.memory_space<semaphore_mem>>) src(%dma_wait3A_79 : memref<8x1024xf32, #tpu.memory_space<hbm>>) dst(%arg11 : memref<8x1024xf32, #tpu.memory_space<vmem>>)
    %dma_wait3A_80 = tpu.memref_reshape %arg5 : memref<2048x4x1024xf32, #tpu.memory_space<hbm>> -> memref<8192x1024xf32, #tpu.memory_space<hbm>>
    %dma_wait3A_81 = arith.constant 0 : i32
    %dma_wait3A_82 = tpu.memref_slice %dma_wait3A_80[%multiple_of3A_35, %dma_wait3A_81] : memref<8192x1024xf32, #tpu.memory_space<hbm>> -> memref<32x1024xf32, #tpu.memory_space<hbm>>
    %dma_wait3A_83 = tpu.memref_reshape %arg5 : memref<2048x4x1024xf32, #tpu.memory_space<hbm>> -> memref<8192x1024xf32, #tpu.memory_space<hbm>>
    %dma_wait3A_84 = arith.constant 0 : i32
    %dma_wait3A_85 = tpu.memref_slice %dma_wait3A_83[%multiple_of3A_35, %dma_wait3A_84] : memref<8192x1024xf32, #tpu.memory_space<hbm>> -> memref<32x1024xf32, #tpu.memory_space<hbm>>
    tpu.wait_dma2 semaphore(%arg16 : memref<!tpu.dma_semaphore, #tpu.memory_space<semaphore_mem>>) src(%arg7 : memref<32x1024xf32, #tpu.memory_space<vmem>>) dst(%dma_wait3A_85 : memref<32x1024xf32, #tpu.memory_space<hbm>>)
    %add3A_86 = arith.constant 24 : i32
    %add3A_87 = arith.addi %multiple_of3A_5, %add3A_86 : i32
    %multiple_of3A_88 = tpu.assume_multiple %add3A_87, 8 : i32
    %dma_start3A_89 = arith.constant 96 : i32
    %dma_start3A_90 = tpu.memref_slice %arg6[%dma_start3A_89] : memref<256xi32, #tpu.memory_space<vmem>> -> memref<32xi32, #tpu.memory_space<vmem>>
    %dma_start3A_91 = arith.constant 0 : i32
    %dma_start3A_92 = arith.constant 0 : i32
    %dma_start3A_93 = tpu.memref_slice %arg2[%dma_start3A_91, %dma_start3A_92] : memref<100000x1024xf32, #tpu.memory_space<hbm>> -> memref<100000x1024xf32, #tpu.memory_space<hbm>>
    tpu.enqueue_indirect_dma source(%dma_start3A_93 : memref<100000x1024xf32, #tpu.memory_space<hbm>>) target(%arg7 : memref<32x1024xf32, #tpu.memory_space<vmem>>) offsets(%dma_start3A_90 : memref<32xi32, #tpu.memory_space<vmem>>) semaphore(%arg13 : memref<!tpu.dma_semaphore, #tpu.memory_space<semaphore_mem>>)
    %dma_start3A_94 = tpu.memref_reshape %arg4 : memref<4096x1x1024xf32, #tpu.memory_space<hbm>> -> memref<4096x1024xf32, #tpu.memory_space<hbm>>
    %dma_start3A_95 = arith.constant 0 : i32
    %dma_start3A_96 = tpu.memref_slice %dma_start3A_94[%multiple_of3A_88, %dma_start3A_95] : memref<4096x1024xf32, #tpu.memory_space<hbm>> -> memref<8x1024xf32, #tpu.memory_space<hbm>>
    %dma_start3A_97 = tpu.memref_reshape %arg4 : memref<4096x1x1024xf32, #tpu.memory_space<hbm>> -> memref<4096x1024xf32, #tpu.memory_space<hbm>>
    %dma_start3A_98 = arith.constant 0 : i32
    %dma_start3A_99 = tpu.memref_slice %dma_start3A_97[%multiple_of3A_88, %dma_start3A_98] : memref<4096x1024xf32, #tpu.memory_space<hbm>> -> memref<8x1024xf32, #tpu.memory_space<hbm>>
    tpu.enqueue_dma source(%dma_start3A_99 : memref<8x1024xf32, #tpu.memory_space<hbm>>) target(%arg10 : memref<8x1024xf32, #tpu.memory_space<vmem>>) target_semaphore(%arg13 : memref<!tpu.dma_semaphore, #tpu.memory_space<semaphore_mem>>)
    %dma_start3A_100 = tpu.memref_reshape %arg5 : memref<2048x4x1024xf32, #tpu.memory_space<hbm>> -> memref<8192x1024xf32, #tpu.memory_space<hbm>>
    %dma_start3A_101 = arith.constant 0 : i32
    %dma_start3A_102 = tpu.memref_slice %dma_start3A_100[%multiple_of3A_68, %dma_start3A_101] : memref<8192x1024xf32, #tpu.memory_space<hbm>> -> memref<32x1024xf32, #tpu.memory_space<hbm>>
    %dma_start3A_103 = tpu.memref_reshape %arg5 : memref<2048x4x1024xf32, #tpu.memory_space<hbm>> -> memref<8192x1024xf32, #tpu.memory_space<hbm>>
    %dma_start3A_104 = arith.constant 0 : i32
    %dma_start3A_105 = tpu.memref_slice %dma_start3A_103[%multiple_of3A_68, %dma_start3A_104] : memref<8192x1024xf32, #tpu.memory_space<hbm>> -> memref<32x1024xf32, #tpu.memory_space<hbm>>
    tpu.enqueue_dma source(%arg8 : memref<32x1024xf32, #tpu.memory_space<vmem>>) target(%dma_start3A_105 : memref<32x1024xf32, #tpu.memory_space<hbm>>) target_semaphore(%arg17 : memref<!tpu.dma_semaphore, #tpu.memory_space<semaphore_mem>>)
    %add3A_106 = arith.constant 64 : i32
    %add3A_107 = arith.addi %multiple_of3A, %add3A_106 : i32
    %multiple_of3A_108 = tpu.assume_multiple %add3A_107, 32 : i32
    %dma_wait3A_109 = arith.constant 64 : i32
    %dma_wait3A_110 = tpu.memref_slice %arg6[%dma_wait3A_109] : memref<256xi32, #tpu.memory_space<vmem>> -> memref<32xi32, #tpu.memory_space<vmem>>
    %dma_wait3A_111 = arith.constant 0 : i32
    %dma_wait3A_112 = arith.constant 0 : i32
    %dma_wait3A_113 = tpu.memref_slice %arg2[%dma_wait3A_111, %dma_wait3A_112] : memref<100000x1024xf32, #tpu.memory_space<hbm>> -> memref<100000x1024xf32, #tpu.memory_space<hbm>>
    tpu.wait_indirect_dma semaphore(%arg15 : memref<!tpu.dma_semaphore, #tpu.memory_space<semaphore_mem>>) src(%dma_wait3A_113 : memref<100000x1024xf32, #tpu.memory_space<hbm>>) dst(%arg9 : memref<32x1024xf32, #tpu.memory_space<vmem>>)
    %dma_wait3A_114 = tpu.memref_reshape %arg4 : memref<4096x1x1024xf32, #tpu.memory_space<hbm>> -> memref<4096x1024xf32, #tpu.memory_space<hbm>>
    %dma_wait3A_115 = arith.constant 0 : i32
    %dma_wait3A_116 = tpu.memref_slice %dma_wait3A_114[%multiple_of3A_48, %dma_wait3A_115] : memref<4096x1024xf32, #tpu.memory_space<hbm>> -> memref<8x1024xf32, #tpu.memory_space<hbm>>
    %dma_wait3A_117 = tpu.memref_reshape %arg4 : memref<4096x1x1024xf32, #tpu.memory_space<hbm>> -> memref<4096x1024xf32, #tpu.memory_space<hbm>>
    %dma_wait3A_118 = arith.constant 0 : i32
    %dma_wait3A_119 = tpu.memref_slice %dma_wait3A_117[%multiple_of3A_48, %dma_wait3A_118] : memref<4096x1024xf32, #tpu.memory_space<hbm>> -> memref<8x1024xf32, #tpu.memory_space<hbm>>
    tpu.wait_dma2 semaphore(%arg15 : memref<!tpu.dma_semaphore, #tpu.memory_space<semaphore_mem>>) src(%dma_wait3A_119 : memref<8x1024xf32, #tpu.memory_space<hbm>>) dst(%arg12 : memref<8x1024xf32, #tpu.memory_space<vmem>>)
    %dma_wait3A_120 = tpu.memref_reshape %arg5 : memref<2048x4x1024xf32, #tpu.memory_space<hbm>> -> memref<8192x1024xf32, #tpu.memory_space<hbm>>
    %dma_wait3A_121 = arith.constant 0 : i32
    %dma_wait3A_122 = tpu.memref_slice %dma_wait3A_120[%multiple_of3A_68, %dma_wait3A_121] : memref<8192x1024xf32, #tpu.memory_space<hbm>> -> memref<32x1024xf32, #tpu.memory_space<hbm>>
    %dma_wait3A_123 = tpu.memref_reshape %arg5 : memref<2048x4x1024xf32, #tpu.memory_space<hbm>> -> memref<8192x1024xf32, #tpu.memory_space<hbm>>
    %dma_wait3A_124 = arith.constant 0 : i32
    %dma_wait3A_125 = tpu.memref_slice %dma_wait3A_123[%multiple_of3A_68, %dma_wait3A_124] : memref<8192x1024xf32, #tpu.memory_space<hbm>> -> memref<32x1024xf32, #tpu.memory_space<hbm>>
    tpu.wait_dma2 semaphore(%arg17 : memref<!tpu.dma_semaphore, #tpu.memory_space<semaphore_mem>>) src(%arg8 : memref<32x1024xf32, #tpu.memory_space<vmem>>) dst(%dma_wait3A_125 : memref<32x1024xf32, #tpu.memory_space<hbm>>)
    %add3A_126 = arith.constant 32 : i32
    %add3A_127 = arith.addi %multiple_of3A_5, %add3A_126 : i32
    %multiple_of3A_128 = tpu.assume_multiple %add3A_127, 8 : i32
    %dma_start3A_129 = arith.constant 128 : i32
    %dma_start3A_130 = tpu.memref_slice %arg6[%dma_start3A_129] : memref<256xi32, #tpu.memory_space<vmem>> -> memref<32xi32, #tpu.memory_space<vmem>>
    %dma_start3A_131 = arith.constant 0 : i32
    %dma_start3A_132 = arith.constant 0 : i32
    %dma_start3A_133 = tpu.memref_slice %arg2[%dma_start3A_131, %dma_start3A_132] : memref<100000x1024xf32, #tpu.memory_space<hbm>> -> memref<100000x1024xf32, #tpu.memory_space<hbm>>
    tpu.enqueue_indirect_dma source(%dma_start3A_133 : memref<100000x1024xf32, #tpu.memory_space<hbm>>) target(%arg8 : memref<32x1024xf32, #tpu.memory_space<vmem>>) offsets(%dma_start3A_130 : memref<32xi32, #tpu.memory_space<vmem>>) semaphore(%arg14 : memref<!tpu.dma_semaphore, #tpu.memory_space<semaphore_mem>>)
    %dma_start3A_134 = tpu.memref_reshape %arg4 : memref<4096x1x1024xf32, #tpu.memory_space<hbm>> -> memref<4096x1024xf32, #tpu.memory_space<hbm>>
    %dma_start3A_135 = arith.constant 0 : i32
    %dma_start3A_136 = tpu.memref_slice %dma_start3A_134[%multiple_of3A_128, %dma_start3A_135] : memref<4096x1024xf32, #tpu.memory_space<hbm>> -> memref<8x1024xf32, #tpu.memory_space<hbm>>
    %dma_start3A_137 = tpu.memref_reshape %arg4 : memref<4096x1x1024xf32, #tpu.memory_space<hbm>> -> memref<4096x1024xf32, #tpu.memory_space<hbm>>
    %dma_start3A_138 = arith.constant 0 : i32
    %dma_start3A_139 = tpu.memref_slice %dma_start3A_137[%multiple_of3A_128, %dma_start3A_138] : memref<4096x1024xf32, #tpu.memory_space<hbm>> -> memref<8x1024xf32, #tpu.memory_space<hbm>>
    tpu.enqueue_dma source(%dma_start3A_139 : memref<8x1024xf32, #tpu.memory_space<hbm>>) target(%arg11 : memref<8x1024xf32, #tpu.memory_space<vmem>>) target_semaphore(%arg14 : memref<!tpu.dma_semaphore, #tpu.memory_space<semaphore_mem>>)
    %dma_start3A_140 = tpu.memref_reshape %arg5 : memref<2048x4x1024xf32, #tpu.memory_space<hbm>> -> memref<8192x1024xf32, #tpu.memory_space<hbm>>
    %dma_start3A_141 = arith.constant 0 : i32
    %dma_start3A_142 = tpu.memref_slice %dma_start3A_140[%multiple_of3A_108, %dma_start3A_141] : memref<8192x1024xf32, #tpu.memory_space<hbm>> -> memref<32x1024xf32, #tpu.memory_space<hbm>>
    %dma_start3A_143 = tpu.memref_reshape %arg5 : memref<2048x4x1024xf32, #tpu.memory_space<hbm>> -> memref<8192x1024xf32, #tpu.memory_space<hbm>>
    %dma_start3A_144 = arith.constant 0 : i32
    %dma_start3A_145 = tpu.memref_slice %dma_start3A_143[%multiple_of3A_108, %dma_start3A_144] : memref<8192x1024xf32, #tpu.memory_space<hbm>> -> memref<32x1024xf32, #tpu.memory_space<hbm>>
    tpu.enqueue_dma source(%arg9 : memref<32x1024xf32, #tpu.memory_space<vmem>>) target(%dma_start3A_145 : memref<32x1024xf32, #tpu.memory_space<hbm>>) target_semaphore(%arg18 : memref<!tpu.dma_semaphore, #tpu.memory_space<semaphore_mem>>)
    %add3A_146 = arith.constant 96 : i32
    %add3A_147 = arith.addi %multiple_of3A, %add3A_146 : i32
    %multiple_of3A_148 = tpu.assume_multiple %add3A_147, 32 : i32
    %dma_wait3A_149 = arith.constant 96 : i32
    %dma_wait3A_150 = tpu.memref_slice %arg6[%dma_wait3A_149] : memref<256xi32, #tpu.memory_space<vmem>> -> memref<32xi32, #tpu.memory_space<vmem>>
    %dma_wait3A_151 = arith.constant 0 : i32
    %dma_wait3A_152 = arith.constant 0 : i32
    %dma_wait3A_153 = tpu.memref_slice %arg2[%dma_wait3A_151, %dma_wait3A_152] : memref<100000x1024xf32, #tpu.memory_space<hbm>> -> memref<100000x1024xf32, #tpu.memory_space<hbm>>
    tpu.wait_indirect_dma semaphore(%arg13 : memref<!tpu.dma_semaphore, #tpu.memory_space<semaphore_mem>>) src(%dma_wait3A_153 : memref<100000x1024xf32, #tpu.memory_space<hbm>>) dst(%arg7 : memref<32x1024xf32, #tpu.memory_space<vmem>>)
    %dma_wait3A_154 = tpu.memref_reshape %arg4 : memref<4096x1x1024xf32, #tpu.memory_space<hbm>> -> memref<4096x1024xf32, #tpu.memory_space<hbm>>
    %dma_wait3A_155 = arith.constant 0 : i32
    %dma_wait3A_156 = tpu.memref_slice %dma_wait3A_154[%multiple_of3A_88, %dma_wait3A_155] : memref<4096x1024xf32, #tpu.memory_space<hbm>> -> memref<8x1024xf32, #tpu.memory_space<hbm>>
    %dma_wait3A_157 = tpu.memref_reshape %arg4 : memref<4096x1x1024xf32, #tpu.memory_space<hbm>> -> memref<4096x1024xf32, #tpu.memory_space<hbm>>
    %dma_wait3A_158 = arith.constant 0 : i32
    %dma_wait3A_159 = tpu.memref_slice %dma_wait3A_157[%multiple_of3A_88, %dma_wait3A_158] : memref<4096x1024xf32, #tpu.memory_space<hbm>> -> memref<8x1024xf32, #tpu.memory_space<hbm>>
    tpu.wait_dma2 semaphore(%arg13 : memref<!tpu.dma_semaphore, #tpu.memory_space<semaphore_mem>>) src(%dma_wait3A_159 : memref<8x1024xf32, #tpu.memory_space<hbm>>) dst(%arg10 : memref<8x1024xf32, #tpu.memory_space<vmem>>)
    %dma_wait3A_160 = tpu.memref_reshape %arg5 : memref<2048x4x1024xf32, #tpu.memory_space<hbm>> -> memref<8192x1024xf32, #tpu.memory_space<hbm>>
    %dma_wait3A_161 = arith.constant 0 : i32
    %dma_wait3A_162 = tpu.memref_slice %dma_wait3A_160[%multiple_of3A_108, %dma_wait3A_161] : memref<8192x1024xf32, #tpu.memory_space<hbm>> -> memref<32x1024xf32, #tpu.memory_space<hbm>>
    %dma_wait3A_163 = tpu.memref_reshape %arg5 : memref<2048x4x1024xf32, #tpu.memory_space<hbm>> -> memref<8192x1024xf32, #tpu.memory_space<hbm>>
    %dma_wait3A_164 = arith.constant 0 : i32
    %dma_wait3A_165 = tpu.memref_slice %dma_wait3A_163[%multiple_of3A_108, %dma_wait3A_164] : memref<8192x1024xf32, #tpu.memory_space<hbm>> -> memref<32x1024xf32, #tpu.memory_space<hbm>>
    tpu.wait_dma2 semaphore(%arg18 : memref<!tpu.dma_semaphore, #tpu.memory_space<semaphore_mem>>) src(%arg9 : memref<32x1024xf32, #tpu.memory_space<vmem>>) dst(%dma_wait3A_165 : memref<32x1024xf32, #tpu.memory_space<hbm>>)
    %add3A_166 = arith.constant 40 : i32
    %add3A_167 = arith.addi %multiple_of3A_5, %add3A_166 : i32
    %multiple_of3A_168 = tpu.assume_multiple %add3A_167, 8 : i32
    %dma_start3A_169 = arith.constant 160 : i32
    %dma_start3A_170 = tpu.memref_slice %arg6[%dma_start3A_169] : memref<256xi32, #tpu.memory_space<vmem>> -> memref<32xi32, #tpu.memory_space<vmem>>
    %dma_start3A_171 = arith.constant 0 : i32
    %dma_start3A_172 = arith.constant 0 : i32
    %dma_start3A_173 = tpu.memref_slice %arg2[%dma_start3A_171, %dma_start3A_172] : memref<100000x1024xf32, #tpu.memory_space<hbm>> -> memref<100000x1024xf32, #tpu.memory_space<hbm>>
    tpu.enqueue_indirect_dma source(%dma_start3A_173 : memref<100000x1024xf32, #tpu.memory_space<hbm>>) target(%arg9 : memref<32x1024xf32, #tpu.memory_space<vmem>>) offsets(%dma_start3A_170 : memref<32xi32, #tpu.memory_space<vmem>>) semaphore(%arg15 : memref<!tpu.dma_semaphore, #tpu.memory_space<semaphore_mem>>)
    %dma_start3A_174 = tpu.memref_reshape %arg4 : memref<4096x1x1024xf32, #tpu.memory_space<hbm>> -> memref<4096x1024xf32, #tpu.memory_space<hbm>>
    %dma_start3A_175 = arith.constant 0 : i32
    %dma_start3A_176 = tpu.memref_slice %dma_start3A_174[%multiple_of3A_168, %dma_start3A_175] : memref<4096x1024xf32, #tpu.memory_space<hbm>> -> memref<8x1024xf32, #tpu.memory_space<hbm>>
    %dma_start3A_177 = tpu.memref_reshape %arg4 : memref<4096x1x1024xf32, #tpu.memory_space<hbm>> -> memref<4096x1024xf32, #tpu.memory_space<hbm>>
    %dma_start3A_178 = arith.constant 0 : i32
    %dma_start3A_179 = tpu.memref_slice %dma_start3A_177[%multiple_of3A_168, %dma_start3A_178] : memref<4096x1024xf32, #tpu.memory_space<hbm>> -> memref<8x1024xf32, #tpu.memory_space<hbm>>
    tpu.enqueue_dma source(%dma_start3A_179 : memref<8x1024xf32, #tpu.memory_space<hbm>>) target(%arg12 : memref<8x1024xf32, #tpu.memory_space<vmem>>) target_semaphore(%arg15 : memref<!tpu.dma_semaphore, #tpu.memory_space<semaphore_mem>>)
    %dma_start3A_180 = tpu.memref_reshape %arg5 : memref<2048x4x1024xf32, #tpu.memory_space<hbm>> -> memref<8192x1024xf32, #tpu.memory_space<hbm>>
    %dma_start3A_181 = arith.constant 0 : i32
    %dma_start3A_182 = tpu.memref_slice %dma_start3A_180[%multiple_of3A_148, %dma_start3A_181] : memref<8192x1024xf32, #tpu.memory_space<hbm>> -> memref<32x1024xf32, #tpu.memory_space<hbm>>
    %dma_start3A_183 = tpu.memref_reshape %arg5 : memref<2048x4x1024xf32, #tpu.memory_space<hbm>> -> memref<8192x1024xf32, #tpu.memory_space<hbm>>
    %dma_start3A_184 = arith.constant 0 : i32
    %dma_start3A_185 = tpu.memref_slice %dma_start3A_183[%multiple_of3A_148, %dma_start3A_184] : memref<8192x1024xf32, #tpu.memory_space<hbm>> -> memref<32x1024xf32, #tpu.memory_space<hbm>>
    tpu.enqueue_dma source(%arg7 : memref<32x1024xf32, #tpu.memory_space<vmem>>) target(%dma_start3A_185 : memref<32x1024xf32, #tpu.memory_space<hbm>>) target_semaphore(%arg16 : memref<!tpu.dma_semaphore, #tpu.memory_space<semaphore_mem>>)
    %add3A_186 = arith.constant 128 : i32
    %add3A_187 = arith.addi %multiple_of3A, %add3A_186 : i32
    %multiple_of3A_188 = tpu.assume_multiple %add3A_187, 32 : i32
    %dma_wait3A_189 = arith.constant 128 : i32
    %dma_wait3A_190 = tpu.memref_slice %arg6[%dma_wait3A_189] : memref<256xi32, #tpu.memory_space<vmem>> -> memref<32xi32, #tpu.memory_space<vmem>>
    %dma_wait3A_191 = arith.constant 0 : i32
    %dma_wait3A_192 = arith.constant 0 : i32
    %dma_wait3A_193 = tpu.memref_slice %arg2[%dma_wait3A_191, %dma_wait3A_192] : memref<100000x1024xf32, #tpu.memory_space<hbm>> -> memref<100000x1024xf32, #tpu.memory_space<hbm>>
    tpu.wait_indirect_dma semaphore(%arg14 : memref<!tpu.dma_semaphore, #tpu.memory_space<semaphore_mem>>) src(%dma_wait3A_193 : memref<100000x1024xf32, #tpu.memory_space<hbm>>) dst(%arg8 : memref<32x1024xf32, #tpu.memory_space<vmem>>)
    %dma_wait3A_194 = tpu.memref_reshape %arg4 : memref<4096x1x1024xf32, #tpu.memory_space<hbm>> -> memref<4096x1024xf32, #tpu.memory_space<hbm>>
    %dma_wait3A_195 = arith.constant 0 : i32
    %dma_wait3A_196 = tpu.memref_slice %dma_wait3A_194[%multiple_of3A_128, %dma_wait3A_195] : memref<4096x1024xf32, #tpu.memory_space<hbm>> -> memref<8x1024xf32, #tpu.memory_space<hbm>>
    %dma_wait3A_197 = tpu.memref_reshape %arg4 : memref<4096x1x1024xf32, #tpu.memory_space<hbm>> -> memref<4096x1024xf32, #tpu.memory_space<hbm>>
    %dma_wait3A_198 = arith.constant 0 : i32
    %dma_wait3A_199 = tpu.memref_slice %dma_wait3A_197[%multiple_of3A_128, %dma_wait3A_198] : memref<4096x1024xf32, #tpu.memory_space<hbm>> -> memref<8x1024xf32, #tpu.memory_space<hbm>>
    tpu.wait_dma2 semaphore(%arg14 : memref<!tpu.dma_semaphore, #tpu.memory_space<semaphore_mem>>) src(%dma_wait3A_199 : memref<8x1024xf32, #tpu.memory_space<hbm>>) dst(%arg11 : memref<8x1024xf32, #tpu.memory_space<vmem>>)
    %dma_wait3A_200 = tpu.memref_reshape %arg5 : memref<2048x4x1024xf32, #tpu.memory_space<hbm>> -> memref<8192x1024xf32, #tpu.memory_space<hbm>>
    %dma_wait3A_201 = arith.constant 0 : i32
    %dma_wait3A_202 = tpu.memref_slice %dma_wait3A_200[%multiple_of3A_148, %dma_wait3A_201] : memref<8192x1024xf32, #tpu.memory_space<hbm>> -> memref<32x1024xf32, #tpu.memory_space<hbm>>
    %dma_wait3A_203 = tpu.memref_reshape %arg5 : memref<2048x4x1024xf32, #tpu.memory_space<hbm>> -> memref<8192x1024xf32, #tpu.memory_space<hbm>>
    %dma_wait3A_204 = arith.constant 0 : i32
    %dma_wait3A_205 = tpu.memref_slice %dma_wait3A_203[%multiple_of3A_148, %dma_wait3A_204] : memref<8192x1024xf32, #tpu.memory_space<hbm>> -> memref<32x1024xf32, #tpu.memory_space<hbm>>
    tpu.wait_dma2 semaphore(%arg16 : memref<!tpu.dma_semaphore, #tpu.memory_space<semaphore_mem>>) src(%arg7 : memref<32x1024xf32, #tpu.memory_space<vmem>>) dst(%dma_wait3A_205 : memref<32x1024xf32, #tpu.memory_space<hbm>>)
    %add3A_206 = arith.constant 48 : i32
    %add3A_207 = arith.addi %multiple_of3A_5, %add3A_206 : i32
    %multiple_of3A_208 = tpu.assume_multiple %add3A_207, 8 : i32
    %dma_start3A_209 = arith.constant 192 : i32
    %dma_start3A_210 = tpu.memref_slice %arg6[%dma_start3A_209] : memref<256xi32, #tpu.memory_space<vmem>> -> memref<32xi32, #tpu.memory_space<vmem>>
    %dma_start3A_211 = arith.constant 0 : i32
    %dma_start3A_212 = arith.constant 0 : i32
    %dma_start3A_213 = tpu.memref_slice %arg2[%dma_start3A_211, %dma_start3A_212] : memref<100000x1024xf32, #tpu.memory_space<hbm>> -> memref<100000x1024xf32, #tpu.memory_space<hbm>>
    tpu.enqueue_indirect_dma source(%dma_start3A_213 : memref<100000x1024xf32, #tpu.memory_space<hbm>>) target(%arg7 : memref<32x1024xf32, #tpu.memory_space<vmem>>) offsets(%dma_start3A_210 : memref<32xi32, #tpu.memory_space<vmem>>) semaphore(%arg13 : memref<!tpu.dma_semaphore, #tpu.memory_space<semaphore_mem>>)
    %dma_start3A_214 = tpu.memref_reshape %arg4 : memref<4096x1x1024xf32, #tpu.memory_space<hbm>> -> memref<4096x1024xf32, #tpu.memory_space<hbm>>
    %dma_start3A_215 = arith.constant 0 : i32
    %dma_start3A_216 = tpu.memref_slice %dma_start3A_214[%multiple_of3A_208, %dma_start3A_215] : memref<4096x1024xf32, #tpu.memory_space<hbm>> -> memref<8x1024xf32, #tpu.memory_space<hbm>>
    %dma_start3A_217 = tpu.memref_reshape %arg4 : memref<4096x1x1024xf32, #tpu.memory_space<hbm>> -> memref<4096x1024xf32, #tpu.memory_space<hbm>>
    %dma_start3A_218 = arith.constant 0 : i32
    %dma_start3A_219 = tpu.memref_slice %dma_start3A_217[%multiple_of3A_208, %dma_start3A_218] : memref<4096x1024xf32, #tpu.memory_space<hbm>> -> memref<8x1024xf32, #tpu.memory_space<hbm>>
    tpu.enqueue_dma source(%dma_start3A_219 : memref<8x1024xf32, #tpu.memory_space<hbm>>) target(%arg10 : memref<8x1024xf32, #tpu.memory_space<vmem>>) target_semaphore(%arg13 : memref<!tpu.dma_semaphore, #tpu.memory_space<semaphore_mem>>)
    %dma_start3A_220 = tpu.memref_reshape %arg5 : memref<2048x4x1024xf32, #tpu.memory_space<hbm>> -> memref<8192x1024xf32, #tpu.memory_space<hbm>>
    %dma_start3A_221 = arith.constant 0 : i32
    %dma_start3A_222 = tpu.memref_slice %dma_start3A_220[%multiple_of3A_188, %dma_start3A_221] : memref<8192x1024xf32, #tpu.memory_space<hbm>> -> memref<32x1024xf32, #tpu.memory_space<hbm>>
    %dma_start3A_223 = tpu.memref_reshape %arg5 : memref<2048x4x1024xf32, #tpu.memory_space<hbm>> -> memref<8192x1024xf32, #tpu.memory_space<hbm>>
    %dma_start3A_224 = arith.constant 0 : i32
    %dma_start3A_225 = tpu.memref_slice %dma_start3A_223[%multiple_of3A_188, %dma_start3A_224] : memref<8192x1024xf32, #tpu.memory_space<hbm>> -> memref<32x1024xf32, #tpu.memory_space<hbm>>
    tpu.enqueue_dma source(%arg8 : memref<32x1024xf32, #tpu.memory_space<vmem>>) target(%dma_start3A_225 : memref<32x1024xf32, #tpu.memory_space<hbm>>) target_semaphore(%arg17 : memref<!tpu.dma_semaphore, #tpu.memory_space<semaphore_mem>>)
    %add3A_226 = arith.constant 160 : i32
    %add3A_227 = arith.addi %multiple_of3A, %add3A_226 : i32
    %multiple_of3A_228 = tpu.assume_multiple %add3A_227, 32 : i32
    %dma_wait3A_229 = arith.constant 160 : i32
    %dma_wait3A_230 = tpu.memref_slice %arg6[%dma_wait3A_229] : memref<256xi32, #tpu.memory_space<vmem>> -> memref<32xi32, #tpu.memory_space<vmem>>
    %dma_wait3A_231 = arith.constant 0 : i32
    %dma_wait3A_232 = arith.constant 0 : i32
    %dma_wait3A_233 = tpu.memref_slice %arg2[%dma_wait3A_231, %dma_wait3A_232] : memref<100000x1024xf32, #tpu.memory_space<hbm>> -> memref<100000x1024xf32, #tpu.memory_space<hbm>>
    tpu.wait_indirect_dma semaphore(%arg15 : memref<!tpu.dma_semaphore, #tpu.memory_space<semaphore_mem>>) src(%dma_wait3A_233 : memref<100000x1024xf32, #tpu.memory_space<hbm>>) dst(%arg9 : memref<32x1024xf32, #tpu.memory_space<vmem>>)
    %dma_wait3A_234 = tpu.memref_reshape %arg4 : memref<4096x1x1024xf32, #tpu.memory_space<hbm>> -> memref<4096x1024xf32, #tpu.memory_space<hbm>>
    %dma_wait3A_235 = arith.constant 0 : i32
    %dma_wait3A_236 = tpu.memref_slice %dma_wait3A_234[%multiple_of3A_168, %dma_wait3A_235] : memref<4096x1024xf32, #tpu.memory_space<hbm>> -> memref<8x1024xf32, #tpu.memory_space<hbm>>
    %dma_wait3A_237 = tpu.memref_reshape %arg4 : memref<4096x1x1024xf32, #tpu.memory_space<hbm>> -> memref<4096x1024xf32, #tpu.memory_space<hbm>>
    %dma_wait3A_238 = arith.constant 0 : i32
    %dma_wait3A_239 = tpu.memref_slice %dma_wait3A_237[%multiple_of3A_168, %dma_wait3A_238] : memref<4096x1024xf32, #tpu.memory_space<hbm>> -> memref<8x1024xf32, #tpu.memory_space<hbm>>
    tpu.wait_dma2 semaphore(%arg15 : memref<!tpu.dma_semaphore, #tpu.memory_space<semaphore_mem>>) src(%dma_wait3A_239 : memref<8x1024xf32, #tpu.memory_space<hbm>>) dst(%arg12 : memref<8x1024xf32, #tpu.memory_space<vmem>>)
    %dma_wait3A_240 = tpu.memref_reshape %arg5 : memref<2048x4x1024xf32, #tpu.memory_space<hbm>> -> memref<8192x1024xf32, #tpu.memory_space<hbm>>
    %dma_wait3A_241 = arith.constant 0 : i32
    %dma_wait3A_242 = tpu.memref_slice %dma_wait3A_240[%multiple_of3A_188, %dma_wait3A_241] : memref<8192x1024xf32, #tpu.memory_space<hbm>> -> memref<32x1024xf32, #tpu.memory_space<hbm>>
    %dma_wait3A_243 = tpu.memref_reshape %arg5 : memref<2048x4x1024xf32, #tpu.memory_space<hbm>> -> memref<8192x1024xf32, #tpu.memory_space<hbm>>
    %dma_wait3A_244 = arith.constant 0 : i32
    %dma_wait3A_245 = tpu.memref_slice %dma_wait3A_243[%multiple_of3A_188, %dma_wait3A_244] : memref<8192x1024xf32, #tpu.memory_space<hbm>> -> memref<32x1024xf32, #tpu.memory_space<hbm>>
    tpu.wait_dma2 semaphore(%arg17 : memref<!tpu.dma_semaphore, #tpu.memory_space<semaphore_mem>>) src(%arg8 : memref<32x1024xf32, #tpu.memory_space<vmem>>) dst(%dma_wait3A_245 : memref<32x1024xf32, #tpu.memory_space<hbm>>)
    %add3A_246 = arith.constant 56 : i32
    %add3A_247 = arith.addi %multiple_of3A_5, %add3A_246 : i32
    %multiple_of3A_248 = tpu.assume_multiple %add3A_247, 8 : i32
    %dma_start3A_249 = arith.constant 224 : i32
    %dma_start3A_250 = tpu.memref_slice %arg6[%dma_start3A_249] : memref<256xi32, #tpu.memory_space<vmem>> -> memref<32xi32, #tpu.memory_space<vmem>>
    %dma_start3A_251 = arith.constant 0 : i32
    %dma_start3A_252 = arith.constant 0 : i32
    %dma_start3A_253 = tpu.memref_slice %arg2[%dma_start3A_251, %dma_start3A_252] : memref<100000x1024xf32, #tpu.memory_space<hbm>> -> memref<100000x1024xf32, #tpu.memory_space<hbm>>
    tpu.enqueue_indirect_dma source(%dma_start3A_253 : memref<100000x1024xf32, #tpu.memory_space<hbm>>) target(%arg8 : memref<32x1024xf32, #tpu.memory_space<vmem>>) offsets(%dma_start3A_250 : memref<32xi32, #tpu.memory_space<vmem>>) semaphore(%arg14 : memref<!tpu.dma_semaphore, #tpu.memory_space<semaphore_mem>>)
    %dma_start3A_254 = tpu.memref_reshape %arg4 : memref<4096x1x1024xf32, #tpu.memory_space<hbm>> -> memref<4096x1024xf32, #tpu.memory_space<hbm>>
    %dma_start3A_255 = arith.constant 0 : i32
    %dma_start3A_256 = tpu.memref_slice %dma_start3A_254[%multiple_of3A_248, %dma_start3A_255] : memref<4096x1024xf32, #tpu.memory_space<hbm>> -> memref<8x1024xf32, #tpu.memory_space<hbm>>
    %dma_start3A_257 = tpu.memref_reshape %arg4 : memref<4096x1x1024xf32, #tpu.memory_space<hbm>> -> memref<4096x1024xf32, #tpu.memory_space<hbm>>
    %dma_start3A_258 = arith.constant 0 : i32
    %dma_start3A_259 = tpu.memref_slice %dma_start3A_257[%multiple_of3A_248, %dma_start3A_258] : memref<4096x1024xf32, #tpu.memory_space<hbm>> -> memref<8x1024xf32, #tpu.memory_space<hbm>>
    tpu.enqueue_dma source(%dma_start3A_259 : memref<8x1024xf32, #tpu.memory_space<hbm>>) target(%arg11 : memref<8x1024xf32, #tpu.memory_space<vmem>>) target_semaphore(%arg14 : memref<!tpu.dma_semaphore, #tpu.memory_space<semaphore_mem>>)
    %dma_start3A_260 = tpu.memref_reshape %arg5 : memref<2048x4x1024xf32, #tpu.memory_space<hbm>> -> memref<8192x1024xf32, #tpu.memory_space<hbm>>
    %dma_start3A_261 = arith.constant 0 : i32
    %dma_start3A_262 = tpu.memref_slice %dma_start3A_260[%multiple_of3A_228, %dma_start3A_261] : memref<8192x1024xf32, #tpu.memory_space<hbm>> -> memref<32x1024xf32, #tpu.memory_space<hbm>>
    %dma_start3A_263 = tpu.memref_reshape %arg5 : memref<2048x4x1024xf32, #tpu.memory_space<hbm>> -> memref<8192x1024xf32, #tpu.memory_space<hbm>>
    %dma_start3A_264 = arith.constant 0 : i32
    %dma_start3A_265 = tpu.memref_slice %dma_start3A_263[%multiple_of3A_228, %dma_start3A_264] : memref<8192x1024xf32, #tpu.memory_space<hbm>> -> memref<32x1024xf32, #tpu.memory_space<hbm>>
    tpu.enqueue_dma source(%arg9 : memref<32x1024xf32, #tpu.memory_space<vmem>>) target(%dma_start3A_265 : memref<32x1024xf32, #tpu.memory_space<hbm>>) target_semaphore(%arg18 : memref<!tpu.dma_semaphore, #tpu.memory_space<semaphore_mem>>)
    %add3A_266 = arith.constant 192 : i32
    %add3A_267 = arith.addi %multiple_of3A, %add3A_266 : i32
    %multiple_of3A_268 = tpu.assume_multiple %add3A_267, 32 : i32
    %dma_wait3A_269 = arith.constant 192 : i32
    %dma_wait3A_270 = tpu.memref_slice %arg6[%dma_wait3A_269] : memref<256xi32, #tpu.memory_space<vmem>> -> memref<32xi32, #tpu.memory_space<vmem>>
    %dma_wait3A_271 = arith.constant 0 : i32
    %dma_wait3A_272 = arith.constant 0 : i32
    %dma_wait3A_273 = tpu.memref_slice %arg2[%dma_wait3A_271, %dma_wait3A_272] : memref<100000x1024xf32, #tpu.memory_space<hbm>> -> memref<100000x1024xf32, #tpu.memory_space<hbm>>
    tpu.wait_indirect_dma semaphore(%arg13 : memref<!tpu.dma_semaphore, #tpu.memory_space<semaphore_mem>>) src(%dma_wait3A_273 : memref<100000x1024xf32, #tpu.memory_space<hbm>>) dst(%arg7 : memref<32x1024xf32, #tpu.memory_space<vmem>>)
    %dma_wait3A_274 = tpu.memref_reshape %arg4 : memref<4096x1x1024xf32, #tpu.memory_space<hbm>> -> memref<4096x1024xf32, #tpu.memory_space<hbm>>
    %dma_wait3A_275 = arith.constant 0 : i32
    %dma_wait3A_276 = tpu.memref_slice %dma_wait3A_274[%multiple_of3A_208, %dma_wait3A_275] : memref<4096x1024xf32, #tpu.memory_space<hbm>> -> memref<8x1024xf32, #tpu.memory_space<hbm>>
    %dma_wait3A_277 = tpu.memref_reshape %arg4 : memref<4096x1x1024xf32, #tpu.memory_space<hbm>> -> memref<4096x1024xf32, #tpu.memory_space<hbm>>
    %dma_wait3A_278 = arith.constant 0 : i32
    %dma_wait3A_279 = tpu.memref_slice %dma_wait3A_277[%multiple_of3A_208, %dma_wait3A_278] : memref<4096x1024xf32, #tpu.memory_space<hbm>> -> memref<8x1024xf32, #tpu.memory_space<hbm>>
    tpu.wait_dma2 semaphore(%arg13 : memref<!tpu.dma_semaphore, #tpu.memory_space<semaphore_mem>>) src(%dma_wait3A_279 : memref<8x1024xf32, #tpu.memory_space<hbm>>) dst(%arg10 : memref<8x1024xf32, #tpu.memory_space<vmem>>)
    %dma_start3A_280 = tpu.memref_reshape %arg5 : memref<2048x4x1024xf32, #tpu.memory_space<hbm>> -> memref<8192x1024xf32, #tpu.memory_space<hbm>>
    %dma_start3A_281 = arith.constant 0 : i32
    %dma_start3A_282 = tpu.memref_slice %dma_start3A_280[%multiple_of3A_268, %dma_start3A_281] : memref<8192x1024xf32, #tpu.memory_space<hbm>> -> memref<32x1024xf32, #tpu.memory_space<hbm>>
    %dma_start3A_283 = tpu.memref_reshape %arg5 : memref<2048x4x1024xf32, #tpu.memory_space<hbm>> -> memref<8192x1024xf32, #tpu.memory_space<hbm>>
    %dma_start3A_284 = arith.constant 0 : i32
    %dma_start3A_285 = tpu.memref_slice %dma_start3A_283[%multiple_of3A_268, %dma_start3A_284] : memref<8192x1024xf32, #tpu.memory_space<hbm>> -> memref<32x1024xf32, #tpu.memory_space<hbm>>
    tpu.enqueue_dma source(%arg7 : memref<32x1024xf32, #tpu.memory_space<vmem>>) target(%dma_start3A_285 : memref<32x1024xf32, #tpu.memory_space<hbm>>) target_semaphore(%arg16 : memref<!tpu.dma_semaphore, #tpu.memory_space<semaphore_mem>>)
    %add3A_286 = arith.constant 224 : i32
    %add3A_287 = arith.addi %multiple_of3A, %add3A_286 : i32
    %multiple_of3A_288 = tpu.assume_multiple %add3A_287, 32 : i32
    %dma_wait3A_289 = arith.constant 224 : i32
    %dma_wait3A_290 = tpu.memref_slice %arg6[%dma_wait3A_289] : memref<256xi32, #tpu.memory_space<vmem>> -> memref<32xi32, #tpu.memory_space<vmem>>
    %dma_wait3A_291 = arith.constant 0 : i32
    %dma_wait3A_292 = arith.constant 0 : i32
    %dma_wait3A_293 = tpu.memref_slice %arg2[%dma_wait3A_291, %dma_wait3A_292] : memref<100000x1024xf32, #tpu.memory_space<hbm>> -> memref<100000x1024xf32, #tpu.memory_space<hbm>>
    tpu.wait_indirect_dma semaphore(%arg14 : memref<!tpu.dma_semaphore, #tpu.memory_space<semaphore_mem>>) src(%dma_wait3A_293 : memref<100000x1024xf32, #tpu.memory_space<hbm>>) dst(%arg8 : memref<32x1024xf32, #tpu.memory_space<vmem>>)
    %dma_wait3A_294 = tpu.memref_reshape %arg4 : memref<4096x1x1024xf32, #tpu.memory_space<hbm>> -> memref<4096x1024xf32, #tpu.memory_space<hbm>>
    %dma_wait3A_295 = arith.constant 0 : i32
    %dma_wait3A_296 = tpu.memref_slice %dma_wait3A_294[%multiple_of3A_248, %dma_wait3A_295] : memref<4096x1024xf32, #tpu.memory_space<hbm>> -> memref<8x1024xf32, #tpu.memory_space<hbm>>
    %dma_wait3A_297 = tpu.memref_reshape %arg4 : memref<4096x1x1024xf32, #tpu.memory_space<hbm>> -> memref<4096x1024xf32, #tpu.memory_space<hbm>>
    %dma_wait3A_298 = arith.constant 0 : i32
    %dma_wait3A_299 = tpu.memref_slice %dma_wait3A_297[%multiple_of3A_248, %dma_wait3A_298] : memref<4096x1024xf32, #tpu.memory_space<hbm>> -> memref<8x1024xf32, #tpu.memory_space<hbm>>
    tpu.wait_dma2 semaphore(%arg14 : memref<!tpu.dma_semaphore, #tpu.memory_space<semaphore_mem>>) src(%dma_wait3A_299 : memref<8x1024xf32, #tpu.memory_space<hbm>>) dst(%arg11 : memref<8x1024xf32, #tpu.memory_space<vmem>>)
    %dma_start3A_300 = tpu.memref_reshape %arg5 : memref<2048x4x1024xf32, #tpu.memory_space<hbm>> -> memref<8192x1024xf32, #tpu.memory_space<hbm>>
    %dma_start3A_301 = arith.constant 0 : i32
    %dma_start3A_302 = tpu.memref_slice %dma_start3A_300[%multiple_of3A_288, %dma_start3A_301] : memref<8192x1024xf32, #tpu.memory_space<hbm>> -> memref<32x1024xf32, #tpu.memory_space<hbm>>
    %dma_start3A_303 = tpu.memref_reshape %arg5 : memref<2048x4x1024xf32, #tpu.memory_space<hbm>> -> memref<8192x1024xf32, #tpu.memory_space<hbm>>
    %dma_start3A_304 = arith.constant 0 : i32
    %dma_start3A_305 = tpu.memref_slice %dma_start3A_303[%multiple_of3A_288, %dma_start3A_304] : memref<8192x1024xf32, #tpu.memory_space<hbm>> -> memref<32x1024xf32, #tpu.memory_space<hbm>>
    tpu.enqueue_dma source(%arg8 : memref<32x1024xf32, #tpu.memory_space<vmem>>) target(%dma_start3A_305 : memref<32x1024xf32, #tpu.memory_space<hbm>>) target_semaphore(%arg17 : memref<!tpu.dma_semaphore, #tpu.memory_space<semaphore_mem>>)
    %dma_wait3A_306 = tpu.memref_reshape %arg5 : memref<2048x4x1024xf32, #tpu.memory_space<hbm>> -> memref<8192x1024xf32, #tpu.memory_space<hbm>>
    %dma_wait3A_307 = arith.constant 0 : i32
    %dma_wait3A_308 = tpu.memref_slice %dma_wait3A_306[%multiple_of3A_228, %dma_wait3A_307] : memref<8192x1024xf32, #tpu.memory_space<hbm>> -> memref<32x1024xf32, #tpu.memory_space<hbm>>
    %dma_wait3A_309 = tpu.memref_reshape %arg5 : memref<2048x4x1024xf32, #tpu.memory_space<hbm>> -> memref<8192x1024xf32, #tpu.memory_space<hbm>>
    %dma_wait3A_310 = arith.constant 0 : i32
    %dma_wait3A_311 = tpu.memref_slice %dma_wait3A_309[%multiple_of3A_228, %dma_wait3A_310] : memref<8192x1024xf32, #tpu.memory_space<hbm>> -> memref<32x1024xf32, #tpu.memory_space<hbm>>
    tpu.wait_dma2 semaphore(%arg18 : memref<!tpu.dma_semaphore, #tpu.memory_space<semaphore_mem>>) src(%arg9 : memref<32x1024xf32, #tpu.memory_space<vmem>>) dst(%dma_wait3A_311 : memref<32x1024xf32, #tpu.memory_space<hbm>>)
    %dma_wait3A_312 = tpu.memref_reshape %arg5 : memref<2048x4x1024xf32, #tpu.memory_space<hbm>> -> memref<8192x1024xf32, #tpu.memory_space<hbm>>
    %dma_wait3A_313 = arith.constant 0 : i32
    %dma_wait3A_314 = tpu.memref_slice %dma_wait3A_312[%multiple_of3A_268, %dma_wait3A_313] : memref<8192x1024xf32, #tpu.memory_space<hbm>> -> memref<32x1024xf32, #tpu.memory_space<hbm>>
    %dma_wait3A_315 = tpu.memref_reshape %arg5 : memref<2048x4x1024xf32, #tpu.memory_space<hbm>> -> memref<8192x1024xf32, #tpu.memory_space<hbm>>
    %dma_wait3A_316 = arith.constant 0 : i32
    %dma_wait3A_317 = tpu.memref_slice %dma_wait3A_315[%multiple_of3A_268, %dma_wait3A_316] : memref<8192x1024xf32, #tpu.memory_space<hbm>> -> memref<32x1024xf32, #tpu.memory_space<hbm>>
    tpu.wait_dma2 semaphore(%arg16 : memref<!tpu.dma_semaphore, #tpu.memory_space<semaphore_mem>>) src(%arg7 : memref<32x1024xf32, #tpu.memory_space<vmem>>) dst(%dma_wait3A_317 : memref<32x1024xf32, #tpu.memory_space<hbm>>)
    %dma_wait3A_318 = tpu.memref_reshape %arg5 : memref<2048x4x1024xf32, #tpu.memory_space<hbm>> -> memref<8192x1024xf32, #tpu.memory_space<hbm>>
    %dma_wait3A_319 = arith.constant 0 : i32
    %dma_wait3A_320 = tpu.memref_slice %dma_wait3A_318[%multiple_of3A_288, %dma_wait3A_319] : memref<8192x1024xf32, #tpu.memory_space<hbm>> -> memref<32x1024xf32, #tpu.memory_space<hbm>>
    %dma_wait3A_321 = tpu.memref_reshape %arg5 : memref<2048x4x1024xf32, #tpu.memory_space<hbm>> -> memref<8192x1024xf32, #tpu.memory_space<hbm>>
    %dma_wait3A_322 = arith.constant 0 : i32
    %dma_wait3A_323 = tpu.memref_slice %dma_wait3A_321[%multiple_of3A_288, %dma_wait3A_322] : memref<8192x1024xf32, #tpu.memory_space<hbm>> -> memref<32x1024xf32, #tpu.memory_space<hbm>>
    tpu.wait_dma2 semaphore(%arg17 : memref<!tpu.dma_semaphore, #tpu.memory_space<semaphore_mem>>) src(%arg8 : memref<32x1024xf32, #tpu.memory_space<vmem>>) dst(%dma_wait3A_323 : memref<32x1024xf32, #tpu.memory_space<hbm>>)
    return
  }
}

</mosaic_0001>

<sc_bundles>
// kernel: kernel.3.cloned.1.call-start
scs
__scs_entry_jumppad:
0x0: {  	(pc) =	sbr.rel $0x88, $3  }
0x1: {  	(tag) =	ssettag $0x0;
	lr =	simm.s32 $0x1  }
0x2: {  	[smem:$0x3F9E] =	sst lr;
	_ =	strace $0xD0000000  }
0x3: {  	_ = 	snop  }
0x4: {  	_ = 	snop  }
0x5: {  	_ = 	snop  }
0x6: {  	_ = 	snop  }
0x7: {  	_ = 	snop  }
__scs_overlays_trampoline_lowered:
0x8: {  	[smem:$0x3FAD] =	sst s0  }
0x9: {  	[smem:$0x3FAE] =	sst s1  }
0xa: {  	[smem:$0x3FAF] =	sst s2  }
0xb: {  	[smem:$0x3FB0] =	sst s3  }
0xc: {  	[smem:$0x3FB1] =	sst s4  }
0xd: {  	[smem:$0x3FB2] =	sst s5  }
0xe: {  	[smem:$0x3FB3] =	sst s6  }
0xf: {  	[smem:$0x3FB4] =	sst s7  }
0x10: {  	[smem:$0x3FB5] =	sst s8  }
0x11: {  	[smem:$0x3FB6] =	sst s9;
	s0 =	simm.s32 @!p0 $0x0  }
0x12: {  	s1 =	sld [smem:$0x3F9C];
	s0 =	simm.s32 @p0 $0x1  }
0x13: {  	[smem:$0x3FB7] =	sst s0;
	s0 =	simm.s32 @!p1 $0x0  }
0x14: {  	s2 =	sld [smem:$0x3F9B];
	s0 =	simm.s32 @p1 $0x1  }
0x15: {  	[smem:$0x3FB8] =	sst s0;
	s0 =	simm.s32 @!p2 $0x0  }
0x16: {  	s3 =	sld [smem:$0x3FDB];
	s0 =	simm.s32 @p2 $0x1  }
0x17: {  	s4 =	simm.s32 $0x1BF5;
	[smem:$0x3FBA] =	sst s0  }
0x18: {  	s0 =	sld [smem:$0x3F9D];
	_ =	swait.ge [sflag:s4], $0x0  }
0x19: {  	s7 =	sld [smem:$0x3F9E]  }
0x1a: {  	s8 =	sadd.s32 $0xFFFFE003, lr  }
0x1b: {  	s9 =	sadd.s32 $0xFFFFFEF7, lr;
	s5 =	simm.s32 $0xFFFFFFFF;
	p2 =	slt.u32 s8, $0xFFFFF086  }
0x1c: {  	p1 =	slt.u32 s9, $0xF7A;
	s5 =	simm.s32 @!p2 $0x0  }
0x1d: {  	s5 =	simm.s32 @p1 $0x1;
	p0 =	seq.s32 s7, s2  }
0x1e: {  	s7 =	smul.u32 @!p0 $0xF7A, s2;
	p2 =	seq.s32 @!p0 s5, $0x0  }
0x1f: {  	s9 =	smul.u32 $0xF7A, s1;
	s8 =	simm.s32 @!p0 $0x1BF5;
	p2 =	por !p2, p0  }
0x20: {  	[sflag:s8] =	ssyncset.s32 @!p0 $0xFFFFF086;
	s6 =	sadd.s32 @!p0 s3, s7;
	s7 =	simm.s32 @!p0 $0x108  }
0x21: {  	s3 =	sadd.s32 s3, s9;
	s6 =	sadd.s32 @!p0 $0x88, s6;
	s7 =	simm.s32 @p2 $0x1082  }
0x22: {  	[simem:s7], [sflag:s8] =	dma.local @!p0 [hbm:s6], $0xF7A  }
0x23: {  	s9 =	sor.u32 $0xD0000000, s2;
	s6 =	simm.s32 $0x108;
	_ =	swait.ge @!p0 [sflag:s8], $0x0  }
0x24: {  	s3 =	sadd.s32 $0x88, s3;
	s6 =	simm.s32 @!p1 $0x1082;
	[sflag:s4] =	ssyncset.s32 $0xFFFFF086  }
0x25: {  	[simem:s6], [sflag:s4] =	dma.local [hbm:s3], $0xF7A  }
0x26: {  	[smem:$0x3F9E] =	sst s1;
	(tag) =	ssettag s2;
	_ =	strace s9  }
0x27: {  	s1 =	sld [smem:$0x3FAE]  }
0x28: {  	s2 =	sld [smem:$0x3FAF]  }
0x29: {  	s4 =	sld [smem:$0x3FB1]  }
0x2a: {  	p0 =	seq.s32 s5, $0x0;
	s5 =	sld [smem:$0x3FB2]  }
0x2b: {  	s6 =	sld [smem:$0x3FB3]  }
0x2c: {  	s7 =	sld [smem:$0x3FB4]  }
0x2d: {  	s3 =	simm.s32 $0x108;
	s8 =	sld [smem:$0x3FB5]  }
0x2e: {  	s3 =	simm.s32 @!p0 $0x1082;
	s9 =	sld [smem:$0x3FB6]  }
0x2f: {  	lr =	sadd.s32 s0, s3;
	s0 =	sld [smem:$0x3FAD]  }
0x30: {  	s3 =	sld [smem:$0x3FB0]  }
0x31: {  	[smem:$0x3FB9] =	sst s10  }
0x32: {  	s10 =	sld [smem:$0x3FB7];
	_ =	sdelay $0x3  }
0x33: {  	p0 =	seq.s32 s10, $0x1;
	s10 =	sld [smem:$0x3FB9];
	_ =	sdelay $0x3  }
0x34: {  	[smem:$0x3FB9] =	sst s10  }
0x35: {  	s10 =	sld [smem:$0x3FB8];
	_ =	sdelay $0x3  }
0x36: {  	p1 =	seq.s32 s10, $0x1;
	s10 =	sld [smem:$0x3FB9];
	_ =	sdelay $0x3  }
0x37: {  	[smem:$0x3FB9] =	sst s10  }
0x38: {  	s10 =	sld [smem:$0x3FBA]  }
0x39: {  	_ = 	snop;
	(pc) =	sbr.ind lr, $3  }
0x3a: {  	_ = 	snop  }
0x3b: {  	_ = 	snop  }
0x3c: {  	p2 =	seq.s32 s10, $0x1;
	s10 =	sld [smem:$0x3FB9]  }
0x3d: {  	_ =	shalt  }
0x3e: {  	_ =	shalt  }
0x3f: {  	_ =	shalt  }
0x40: {  	_ =	shalt  }
0x41: {  	_ =	shalt  }
0x42: {  	_ =	shalt  }
0x43: {  	_ =	shalt  }
0x44: {  	_ =	shalt  }
0x45: {  	_ =	shalt  }
0x46: {  	_ =	shalt  }
0x47: {  	_ =	shalt  }
0x48: {  	_ =	shalt  }
0x49: {  	_ =	shalt  }
0x4a: {  	_ =	shalt  }
0x4b: {  	_ =	shalt  }
0x4c: {  	_ =	shalt  }
0x4d: {  	_ =	shalt  }
0x4e: {  	_ =	shalt  }
0x4f: {  	_ =	shalt  }
0x50: {  	_ =	shalt  }
0x51: {  	_ =	shalt  }
0x52: {  	_ =	shalt  }
0x53: {  	_ =	shalt  }
0x54: {  	_ =	shalt  }
0x55: {  	_ =	shalt  }
0x56: {  	_ =	shalt  }
0x57: {  	_ =	shalt  }
0x58: {  	_ =	shalt  }
0x59: {  	_ =	shalt  }
0x5a: {  	_ =	shalt  }
0x5b: {  	_ =	shalt  }
0x5c: {  	_ =	shalt  }
0x5d: {  	_ =	shalt  }
0x5e: {  	_ =	shalt  }
0x5f: {  	_ =	shalt  }
0x60: {  	_ =	shalt  }
0x61: {  	_ =	shalt  }
0x62: {  	_ =	shalt  }
0x63: {  	_ =	shalt  }
0x64: {  	_ =	shalt  }
0x65: {  	_ =	shalt  }
0x66: {  	_ =	shalt  }
0x67: {  	_ =	shalt  }
0x68: {  	_ =	shalt  }
0x69: {  	_ =	shalt  }
0x6a: {  	_ =	shalt  }
0x6b: {  	_ =	shalt  }
0x6c: {  	_ =	shalt  }
0x6d: {  	_ =	shalt  }
0x6e: {  	_ =	shalt  }
0x6f: {  	_ =	shalt  }
0x70: {  	_ =	shalt  }
0x71: {  	_ =	shalt  }
0x72: {  	_ =	shalt  }
0x73: {  	_ =	shalt  }
0x74: {  	_ =	shalt  }
0x75: {  	_ =	shalt  }
0x76: {  	_ =	shalt  }
0x77: {  	_ =	shalt  }
0x78: {  	_ =	shalt  }
0x79: {  	_ =	shalt  }
0x7a: {  	_ =	shalt  }
0x7b: {  	_ =	shalt  }
0x7c: {  	_ =	shalt  }
0x7d: {  	_ =	shalt  }
0x7e: {  	_ =	shalt  }
0x7f: {  	_ =	shalt  }
0x80: {  	_ =	shalt  }
0x81: {  	_ =	shalt  }
0x82: {  	_ =	shalt  }
0x83: {  	_ =	shalt  }
0x84: {  	_ =	shalt  }
0x85: {  	_ =	shalt  }
0x86: {  	_ =	shalt  }
0x87: {  	_ =	shalt  }
.Lfunc_end0:
.L_simem_size_0:
called_computation_lowered:
.L_overlay_start_0:
0x88: {  	s2 =	sld [smem:$0x3FD9]  }
0x89: {  	s3 =	sld [smem:$0x3FFE];
	_ =	sdelay $0x1  }
0x8a: {  	s1 =	srdreg.scid  }
0x8b: {  	s0 =	sand.u32 $0x1, s1  }
0x8c: {  	s17 =	sshll.u32 s0, $0xA;
	s2 =	sadd.s32 s3, s2  }
0x8d: {  	s2 =	sadd.s32 s2, s17  }
0x8e: {  	[smem:$0x3FC5] =	sst s2  }
0x8f: {  	_ = 	snop  }
0x90: {  	s2 =	sld [smem:$0x3FC8]  }
0x91: {  	s18 =	sld [smem:$0x3FC7]  }
0x92: {  	s4 =	sld [smem:$0x3FD0];
	(tm) =	ssettm $0x1  }
0x93: {  	s5 =	sld [smem:$0x3FFB];
	_ =	sdelay $0x3  }
0x94: {  	_ =	strace s5  }
0x95: {  	s5 =	sld [smem:$0x3FFC];
	_ =	sdelay $0x3  }
0x96: {  	_ =	strace s5  }
0x97: {  	s5 =	sld [smem:$0x3FFD];
	_ =	sdelay $0x3  }
0x98: {  	_ =	strace s5  }
0x99: {  	_ =	strace $0x8FFFFFFF  }
0x9a: {  	s19 =	sld [smem:$0x3FDB];
	_ =	sdelay $0x1  }
0x9b: {  	s6 =	simm.s32 $_scs_section_size  }
0x9c: {  	s7 =	simm.s32 $_size__tile_overlayer_lowered;
	s8 =	simm.s32 $_tile_overlayer_lowered  }
0x9d: {  	s22 =	simm.s32 $0x1BFF;
	s21 =	sshll.u32 s8, $0x1;
	s5 =	sadd.s32 s6, s19  }
0x9e: {  	s9 =	simm.s32 $0x0;
	s20 =	sshll.u32 s7, $0x1;
	s7 =	sadd.s32 s21, s5  }
0x9f: {  	[timem:s9], [sflag:s22] =	dma.local [hbm:s7], s20  }
0xa0: {  	_ =	swait.ge [sflag:s22], s20  }
0xa1: {  	s6 =	ssub.s32 $0x0, s20;
	[sflag:s22] =	ssyncset.done $0x0  }
0xa2: {  	[sflag:s22] =	ssyncadd.s32 s6;
	_ =	sdelay $0x1  }
0xa3: {  	s23 =	simm.s32 $0x1B8B  }
0xa4: {  	_ =	swait.ge [sflag:s23], $0x1  }
0xa5: {  	[sflag:s23] =	ssyncset.done $0x0  }
0xa6: {  	s25 =	simm.s32 $0x1B8E;
	s24 =	sld [smem:$0x3FFE];
	[sflag:s23] =	ssyncadd.s32 $0xFFFFFFFF  }
0xa7: {  	s26 =	simm.s32 $execute0_lowered;
	[smem:$0x3FD2] =	sst s25  }
0xa8: {  	s7 =	sshll.u32 s26, $0x1;
	_ =	strace $0x80000046;
	[dreg:$0x1] =	wrdreg $0xFFFFFFFF  }
0xa9: {  	s28 =	simm.s32 $_size_execute0_lowered;
	s5 =	sadd.s32 s5, s7;
	[dreg:$0x0] =	wrdreg $0x0  }
0xaa: {  	s7 =	sshll.u32 s28, $0x1;
	[dreg:$0x2] =	wrdreg s5  }
0xab: {  	[dreg:$0x3] =	wrdreg s7  }
0xac: {  	[dreg:$0x4] =	wrdreg $0xC0  }
0xad: {  	_ =	task [dreg:s9], $0x5FFFF  }
0xae: {  	[dreg:$0x1] =	wrdreg $0xFFFFFFFF  }
0xaf: {  	[dreg:$0x0] =	wrdreg $0x60  }
0xb0: {  	[dreg:$0x2] =	wrdreg s2  }
0xb1: {  	[dreg:$0x3] =	wrdreg s24  }
0xb2: {  	[dreg:$0x4] =	wrdreg s18  }
0xb3: {  	[dreg:$0x5] =	wrdreg s4  }
0xb4: {  	[dreg:$0x6] =	wrdreg $0x9  }
0xb5: {  	_ =	task.clear_ibuf [dreg:s9], $0x7FFFF;
	_ =	strace $0x90000046  }
0xb6: {  	s29 =	simm.s32 $0x9;
	_ =	strace $0x80000048  }
0xb7: {  	_ =	swait.ge [sflag:s29], $0x1  }
0xb8: {  	[sflag:s29] =	ssyncadd.s32 $0xFFFFFFFF  }
0xb9: {  	_ =	strace $0x90000048  }
0xba: {  	_ =	sfence  }
0xbb: {  	s30 =	sld [smem:$0x0];
	_ =	sdelay $0x2  }
0xbc: {  	s31 =	sshll.u32 s1, $0xD;
	s1 =	sshrl.u32 s1, $0x2  }
0xbd: {  	s3 =	sand.u32 $0x4000, s31;
	s1 =	sadd.s32 s1, s30  }
0xbe: {  	s0 =	sor.u32 s3, s0;
	s1 =	sshll.u32 s1, $0x11  }
0xbf: {  	s0 =	sor.u32 s1, s0  }
0xc0: {  	s0 =	sadd.s32 $0x8F2B, s0  }
0xc1: {  	[sflag:s0] =	ssyncadd.remote.s32 $0x1  }
0xc2: {  	_ =	sfence.sel $0xFFFF  }
0xc3: {  	[dreg:$0x0] =	wrdreg $0xFFFFFFFF;
	(pc) =	sbr.abs _section_cstart, $3  }
0xc4: {  	[dreg:$0x1] =	wrdreg $0xFFFFFFFF  }
0xc5: {  	_ =	task.clear_ibuf [dreg:s9], $0x2FFFF;
	_ =	strace $0x9FFFFFFF  }
0xc6: {  	(tm) =	ssettm $0x7FFFFFFF  }
0xc7: {  	_ =	shalt  }
tec
execute0_lowered:
.L_overlay_start_1:
0x0: {  	(tag) =	ssettag $0x1  }
0x1: {  	s1 =	rddreg [dreg:$0x0]  }
0x2: {  	s0 =	rddreg [dreg:$0x1]  }
0x3: {  	s2 =	rddreg [dreg:$0x2];
	s3 =	srdreg.scid  }
0x4: {  	s6 =	stileid.u32;
	s4 =	rddreg [dreg:$0x3]  }
0x5: {  	s25 =	simm.s32 $0x200;
	s28 =	simm.s32 $0x2;
	s10 =	simm.s32 $0x0  }
0x6: {  	s5 =	sand.u32 $0x1, s3;
	s6 =	sshll.u32 s6, $0x1;
	s3 =	simm.s32 $0x0  }
0x7: {  	s8 =	sadd.s32 $0x300, s1;
	s9 =	sor.u32 s5, s6;
	[smem:$0x7FF] =	sst s3  }
0x8: {  	s5 =	ssub.s32 $0x2, s5;
	s6 =	sshll.u32 s9, $0x5;
	_ =	strace $0x80000047  }
0x9: {  	s26 =	sshrl.u32 s5, $0x1;
	s29 =	sshll.u32 s9, $0xD;
	s30 =	sshll.u32 s9, $0xF  }
0xa: {  	s0 =	sadd.s32 s6, s0;
	s24 =	ssub.s32 s5, s26;
	s5 =	sadd.s32 $0x100, s1  }
0xb: {  	s6 =	sadd.s32 $0x200, s1;
	s7 =	sadd.s32 s2, s29;
	s11 =	sadd.s32 s4, s30  }
0xc: {  	s4 =	simm.s32 $0x400;
	s26 =	simm.s32 $0x1000;
	s0 =	sadd.s32 $0x400, s0  }
0xd: {  	s2 =	sadd.s32 $0x800, s7;
	s12 =	sadd.s32 $0xC00, s7;
	s13 =	sadd.s32 $0x1000, s11  }
0xe: {  	s14 =	sadd.s32 $0x1000, s7;
	s15 =	sadd.s32 $0x2000, s11;
	s16 =	sadd.s32 $0x1400, s7  }
0xf: {  	s17 =	sadd.s32 $0x3000, s11;
	s18 =	sadd.s32 $0x1800, s7;
	s19 =	sadd.s32 $0x4000, s11  }
0x10: {  	s20 =	sadd.s32 $0x1C00, s7;
	s21 =	sadd.s32 $0x5000, s11;
	[dreg:$0x5] =	wrdreg s0  }
0x11: {  	v2 =	vlaneseq.u32;
	s22 =	sadd.s32 $0x6000, s11;
	s31 =	smax.u32 s24, $0x1;
	[dreg:$0x7] =	wrdreg s2  }
0x12: {  	vm0 =	vmmov $0xffff;
	v1 =	vshrl.u32 v2, $0x3;
	s23 =	sadd.s32 $0x7000, s11;
	s0 =	sadd.s32 $0x400, s7;
	[dreg:$0x8] =	wrdreg s31  }
0x13: {  	v0 =	vand.u32 $0x7, v2;
	v2 =	vor.u32 $0x8, v2;
	v1 =	vmul.u32 $0x8, v1;
	s24 =	simm.s32 $0x1;
	[dreg:$0x6] =	wrdreg s0;
	s0 =	simm.s32 $0x80  }
.LBB2_1:
0x14: {  	[dreg:$0x9] =	wrdreg s10  }
0x15: {  	s2 =	rddreg [dreg:$0x5];
	s10 =	simm.s32 $0x7  }
0x16: {  	[tilespmem:s3], [sflag:$0x7] =	stream.linear.gather [hbm4b:s2+s3], $0x100, $0x38;
	[tilespmem:$0x1E100] =	vst v63  }
0x17: {  	_ =	swait.ge [sflag:s10], $0x100  }
0x18: {  	[sflag:s10] =	ssyncset.done $0x0  }
0x19: {  	[sflag:s10] =	ssyncadd.s32 $0xFFFFFF00  }
0x1a: {  	v3 =	vld [tilespmem:$0x0];
	_ =	sdelay $0x4  }
0x1b: {  	v4 =	vshll.u32 v3, $0x3  }
0x1c: {  	v3 =	vand.u32 $0x7, v3;
	v4 =	vand.u32 $0xFFFFFFC0, v4  }
0x1d: {  	v3 =	vor.u32 v3, v4  }
0x1e: {  	v4 =	vperm.xlane v3, v0;
	_ =	sdelay $0x1  }
0x1f: {  	v4 =	vadd.s32 v1, v4;
	_ =	sdelay $0x3  }
0x20: {  	s9 =	simm.s32 $0x100  }
0x21: {  	[tilespmem:s9], [sflag:$0x1] =	stream.indirect_vreg.gather [hbm4b:s1+s3], $0x80, v4, vm0, $0xb8;
	[tilespmem:$0x1E100] =	vst v63  }
0x22: {  	s10 =	simm.s32 $0x900;
	v3 =	vperm.xlane v3, v2  }
0x23: {  	[tilespmem:s10], [sflag:$0x1] =	stream.indirect_vreg.gather [hbm4b:s5+s3], $0x80, v4, vm0, $0xb8;
	[tilespmem:$0x1E100] =	vst v63  }
0x24: {  	v3 =	vadd.s32 v1, v3;
	s9 =	simm.s32 $0x1100  }
0x25: {  	[tilespmem:s9], [sflag:$0x1] =	stream.indirect_vreg.gather [hbm4b:s6+s3], $0x80, v4, vm0, $0xb8;
	[tilespmem:$0x1E100] =	vst v63  }
0x26: {  	s10 =	simm.s32 $0x1900  }
0x27: {  	[tilespmem:s10], [sflag:$0x1] =	stream.indirect_vreg.gather [hbm4b:s8+s3], $0x80, v4, vm0, $0xb8;
	[tilespmem:$0x1E100] =	vst v63  }
0x28: {  	s9 =	simm.s32 $0x2100  }
0x29: {  	[tilespmem:s9], [sflag:$0x1] =	stream.indirect_vreg.gather [hbm4b:s1+s3], $0x80, v3, vm0, $0xb8;
	[tilespmem:$0x1E100] =	vst v63  }
0x2a: {  	s10 =	simm.s32 $0x2900  }
0x2b: {  	[tilespmem:s10], [sflag:$0x1] =	stream.indirect_vreg.gather [hbm4b:s5+s3], $0x80, v3, vm0, $0xb8;
	[tilespmem:$0x1E100] =	vst v63  }
0x2c: {  	s9 =	simm.s32 $0x3100  }
0x2d: {  	[tilespmem:s9], [sflag:$0x1] =	stream.indirect_vreg.gather [hbm4b:s6+s3], $0x80, v3, vm0, $0xb8;
	[tilespmem:$0x1E100] =	vst v63  }
0x2e: {  	s10 =	simm.s32 $0x3900  }
0x2f: {  	[tilespmem:s10], [sflag:$0x1] =	stream.indirect_vreg.gather [hbm4b:s8+s3], $0x80, v3, vm0, $0xb8;
	[tilespmem:$0x1E100] =	vst v63  }
0x30: {  	v3 =	vld [tilespmem:$0x10];
	_ =	sdelay $0x4  }
0x31: {  	v59 =	vshll.u32 v3, $0x3  }
0x32: {  	v3 =	vand.u32 $0x7, v3;
	v4 =	vand.u32 $0xFFFFFFC0, v59  }
0x33: {  	v3 =	vor.u32 v3, v4  }
0x34: {  	v4 =	vperm.xlane v3, v0;
	_ =	sdelay $0x1  }
0x35: {  	v4 =	vadd.s32 v1, v4;
	_ =	sdelay $0x3  }
0x36: {  	s9 =	simm.s32 $0x4100  }
0x37: {  	[tilespmem:s9], [sflag:$0x1] =	stream.indirect_vreg.gather [hbm4b:s1+s3], $0x80, v4, vm0, $0xb8;
	[tilespmem:$0x1E100] =	vst v63  }
0x38: {  	s10 =	simm.s32 $0x4900;
	v3 =	vperm.xlane v3, v2  }
0x39: {  	[tilespmem:s10], [sflag:$0x1] =	stream.indirect_vreg.gather [hbm4b:s5+s3], $0x80, v4, vm0, $0xb8;
	[tilespmem:$0x1E100] =	vst v63  }
0x3a: {  	v3 =	vadd.s32 v1, v3;
	s9 =	simm.s32 $0x5100  }
0x3b: {  	[tilespmem:s9], [sflag:$0x1] =	stream.indirect_vreg.gather [hbm4b:s6+s3], $0x80, v4, vm0, $0xb8;
	[tilespmem:$0x1E100] =	vst v63  }
0x3c: {  	s10 =	simm.s32 $0x5900  }
0x3d: {  	[tilespmem:s10], [sflag:$0x1] =	stream.indirect_vreg.gather [hbm4b:s8+s3], $0x80, v4, vm0, $0xb8;
	[tilespmem:$0x1E100] =	vst v63  }
0x3e: {  	s9 =	simm.s32 $0x6100  }
0x3f: {  	[tilespmem:s9], [sflag:$0x1] =	stream.indirect_vreg.gather [hbm4b:s1+s3], $0x80, v3, vm0, $0xb8;
	[tilespmem:$0x1E100] =	vst v63  }
0x40: {  	s10 =	simm.s32 $0x6900  }
0x41: {  	[tilespmem:s10], [sflag:$0x1] =	stream.indirect_vreg.gather [hbm4b:s5+s3], $0x80, v3, vm0, $0xb8;
	[tilespmem:$0x1E100] =	vst v63  }
0x42: {  	s9 =	simm.s32 $0x7100  }
0x43: {  	[tilespmem:s9], [sflag:$0x1] =	stream.indirect_vreg.gather [hbm4b:s6+s3], $0x80, v3, vm0, $0xb8;
	[tilespmem:$0x1E100] =	vst v63  }
0x44: {  	s10 =	simm.s32 $0x7900  }
0x45: {  	[tilespmem:s10], [sflag:$0x1] =	stream.indirect_vreg.gather [hbm4b:s8+s3], $0x80, v3, vm0, $0xb8;
	[tilespmem:$0x1E100] =	vst v63  }
0x46: {  	s9 =	simm.s32 $0x18100  }
0x47: {  	[tilespmem:s9], [sflag:$0x1] =	stream.strided.gather [hbm4b:s7+s0], $0x400, s4, s0, $0x38;
	[tilespmem:$0x1E100] =	vst v63  }
0x48: {  	s10 =	sadd.s32 $0x10, s7;
	s9 =	simm.s32 $0x18500  }
0x49: {  	[tilespmem:s9], [sflag:$0x1] =	stream.strided.gather [hbm4b:s10+s0], $0x400, s4, s0, $0x38;
	[tilespmem:$0x1E100] =	vst v63  }
0x4a: {  	s9 =	sadd.s32 $0x20, s7;
	s10 =	simm.s32 $0x18900  }
0x4b: {  	[tilespmem:s10], [sflag:$0x1] =	stream.strided.gather [hbm4b:s9+s0], $0x400, s4, s0, $0x38;
	[tilespmem:$0x1E100] =	vst v63  }
0x4c: {  	s9 =	sadd.s32 $0x30, s7;
	s10 =	simm.s32 $0x18D00  }
0x4d: {  	[tilespmem:s10], [sflag:$0x1] =	stream.strided.gather [hbm4b:s9+s0], $0x400, s4, s0, $0x38;
	[tilespmem:$0x1E100] =	vst v63  }
0x4e: {  	s9 =	sadd.s32 $0x40, s7;
	s10 =	simm.s32 $0x19100  }
0x4f: {  	[tilespmem:s10], [sflag:$0x1] =	stream.strided.gather [hbm4b:s9+s0], $0x400, s4, s0, $0x38;
	[tilespmem:$0x1E100] =	vst v63  }
0x50: {  	s9 =	sadd.s32 $0x50, s7;
	s10 =	simm.s32 $0x19500  }
0x51: {  	[tilespmem:s10], [sflag:$0x1] =	stream.strided.gather [hbm4b:s9+s0], $0x400, s4, s0, $0x38;
	[tilespmem:$0x1E100] =	vst v63  }
0x52: {  	s9 =	sadd.s32 $0x60, s7;
	s10 =	simm.s32 $0x19900  }
0x53: {  	[tilespmem:s10], [sflag:$0x1] =	stream.strided.gather [hbm4b:s9+s0], $0x400, s4, s0, $0x38;
	[tilespmem:$0x1E100] =	vst v63  }
0x54: {  	s9 =	sadd.s32 $0x70, s7;
	s10 =	simm.s32 $0x19D00  }
0x55: {  	[tilespmem:s10], [sflag:$0x1] =	stream.strided.gather [hbm4b:s9+s0], $0x400, s4, s0, $0x38;
	[tilespmem:$0x1E100] =	vst v63  }
0x56: {  	v3 =	vld [tilespmem:$0x20];
	_ =	sdelay $0x4  }
0x57: {  	v60 =	vshll.u32 v3, $0x3  }
0x58: {  	v3 =	vand.u32 $0x7, v3;
	v4 =	vand.u32 $0xFFFFFFC0, v60  }
0x59: {  	v3 =	vor.u32 v3, v4  }
0x5a: {  	v4 =	vperm.xlane v3, v0;
	_ =	sdelay $0x1  }
0x5b: {  	v4 =	vadd.s32 v1, v4;
	_ =	sdelay $0x3  }
0x5c: {  	s10 =	simm.s32 $0x8100  }
0x5d: {  	[tilespmem:s10], [sflag:$0x2] =	stream.indirect_vreg.gather [hbm4b:s1+s3], $0x80, v4, vm0, $0xb8;
	[tilespmem:$0x1E100] =	vst v63  }
0x5e: {  	s9 =	simm.s32 $0x8900;
	v3 =	vperm.xlane v3, v2  }
0x5f: {  	[tilespmem:s9], [sflag:$0x2] =	stream.indirect_vreg.gather [hbm4b:s5+s3], $0x80, v4, vm0, $0xb8;
	[tilespmem:$0x1E100] =	vst v63  }
0x60: {  	v3 =	vadd.s32 v1, v3;
	s10 =	simm.s32 $0x9100  }
0x61: {  	[tilespmem:s10], [sflag:$0x2] =	stream.indirect_vreg.gather [hbm4b:s6+s3], $0x80, v4, vm0, $0xb8;
	[tilespmem:$0x1E100] =	vst v63  }
0x62: {  	s9 =	simm.s32 $0x9900  }
0x63: {  	[tilespmem:s9], [sflag:$0x2] =	stream.indirect_vreg.gather [hbm4b:s8+s3], $0x80, v4, vm0, $0xb8;
	[tilespmem:$0x1E100] =	vst v63  }
0x64: {  	s10 =	simm.s32 $0xA100  }
0x65: {  	[tilespmem:s10], [sflag:$0x2] =	stream.indirect_vreg.gather [hbm4b:s1+s3], $0x80, v3, vm0, $0xb8;
	[tilespmem:$0x1E100] =	vst v63  }
0x66: {  	s9 =	simm.s32 $0xA900  }
0x67: {  	[tilespmem:s9], [sflag:$0x2] =	stream.indirect_vreg.gather [hbm4b:s5+s3], $0x80, v3, vm0, $0xb8;
	[tilespmem:$0x1E100] =	vst v63  }
0x68: {  	s10 =	simm.s32 $0xB100  }
0x69: {  	[tilespmem:s10], [sflag:$0x2] =	stream.indirect_vreg.gather [hbm4b:s6+s3], $0x80, v3, vm0, $0xb8;
	[tilespmem:$0x1E100] =	vst v63  }
0x6a: {  	s9 =	simm.s32 $0xB900  }
0x6b: {  	[tilespmem:s9], [sflag:$0x2] =	stream.indirect_vreg.gather [hbm4b:s8+s3], $0x80, v3, vm0, $0xb8;
	[tilespmem:$0x1E100] =	vst v63  }
0x6c: {  	v3 =	vld [tilespmem:$0x30];
	_ =	sdelay $0x4  }
0x6d: {  	v61 =	vshll.u32 v3, $0x3  }
0x6e: {  	v3 =	vand.u32 $0x7, v3;
	v4 =	vand.u32 $0xFFFFFFC0, v61  }
0x6f: {  	v3 =	vor.u32 v3, v4  }
0x70: {  	v4 =	vperm.xlane v3, v0;
	_ =	sdelay $0x1  }
0x71: {  	v4 =	vadd.s32 v1, v4;
	_ =	sdelay $0x3  }
0x72: {  	s10 =	simm.s32 $0xC100  }
0x73: {  	[tilespmem:s10], [sflag:$0x2] =	stream.indirect_vreg.gather [hbm4b:s1+s3], $0x80, v4, vm0, $0xb8;
	[tilespmem:$0x1E100] =	vst v63  }
0x74: {  	s9 =	simm.s32 $0xC900;
	v3 =	vperm.xlane v3, v2  }
0x75: {  	[tilespmem:s9], [sflag:$0x2] =	stream.indirect_vreg.gather [hbm4b:s5+s3], $0x80, v4, vm0, $0xb8;
	[tilespmem:$0x1E100] =	vst v63  }
0x76: {  	v3 =	vadd.s32 v1, v3;
	s10 =	simm.s32 $0xD100  }
0x77: {  	[tilespmem:s10], [sflag:$0x2] =	stream.indirect_vreg.gather [hbm4b:s6+s3], $0x80, v4, vm0, $0xb8;
	[tilespmem:$0x1E100] =	vst v63  }
0x78: {  	s9 =	simm.s32 $0xD900  }
0x79: {  	[tilespmem:s9], [sflag:$0x2] =	stream.indirect_vreg.gather [hbm4b:s8+s3], $0x80, v4, vm0, $0xb8;
	[tilespmem:$0x1E100] =	vst v63  }
0x7a: {  	s10 =	simm.s32 $0xE100  }
0x7b: {  	[tilespmem:s10], [sflag:$0x2] =	stream.indirect_vreg.gather [hbm4b:s1+s3], $0x80, v3, vm0, $0xb8;
	[tilespmem:$0x1E100] =	vst v63  }
0x7c: {  	s9 =	simm.s32 $0xE900  }
0x7d: {  	[tilespmem:s9], [sflag:$0x2] =	stream.indirect_vreg.gather [hbm4b:s5+s3], $0x80, v3, vm0, $0xb8;
	[tilespmem:$0x1E100] =	vst v63  }
0x7e: {  	s10 =	simm.s32 $0xF100  }
0x7f: {  	[tilespmem:s10], [sflag:$0x2] =	stream.indirect_vreg.gather [hbm4b:s6+s3], $0x80, v3, vm0, $0xb8;
	[tilespmem:$0x1E100] =	vst v63  }
0x80: {  	s9 =	simm.s32 $0xF900  }
0x81: {  	[tilespmem:s9], [sflag:$0x2] =	stream.indirect_vreg.gather [hbm4b:s8+s3], $0x80, v3, vm0, $0xb8;
	[tilespmem:$0x1E100] =	vst v63  }
0x82: {  	s10 =	simm.s32 $0x1A100;
	s9 =	rddreg [dreg:$0x6]  }
0x83: {  	[tilespmem:s10], [sflag:$0x2] =	stream.strided.gather [hbm4b:s9+s0], $0x400, s4, s0, $0x38;
	[tilespmem:$0x1E100] =	vst v63  }
0x84: {  	s2 =	sadd.s32 $0x10, s9;
	s10 =	simm.s32 $0x1A500  }
0x85: {  	[tilespmem:s10], [sflag:$0x2] =	stream.strided.gather [hbm4b:s2+s0], $0x400, s4, s0, $0x38;
	[tilespmem:$0x1E100] =	vst v63  }
0x86: {  	s2 =	sadd.s32 $0x20, s9;
	s10 =	simm.s32 $0x1A900  }
0x87: {  	[tilespmem:s10], [sflag:$0x2] =	stream.strided.gather [hbm4b:s2+s0], $0x400, s4, s0, $0x38;
	[tilespmem:$0x1E100] =	vst v63  }
0x88: {  	s2 =	sadd.s32 $0x30, s9;
	s10 =	simm.s32 $0x1AD00  }
0x89: {  	[tilespmem:s10], [sflag:$0x2] =	stream.strided.gather [hbm4b:s2+s0], $0x400, s4, s0, $0x38;
	[tilespmem:$0x1E100] =	vst v63  }
0x8a: {  	s2 =	sadd.s32 $0x40, s9;
	s10 =	simm.s32 $0x1B100  }
0x8b: {  	[tilespmem:s10], [sflag:$0x2] =	stream.strided.gather [hbm4b:s2+s0], $0x400, s4, s0, $0x38;
	[tilespmem:$0x1E100] =	vst v63  }
0x8c: {  	s2 =	sadd.s32 $0x50, s9;
	s10 =	simm.s32 $0x1B500  }
0x8d: {  	[tilespmem:s10], [sflag:$0x2] =	stream.strided.gather [hbm4b:s2+s0], $0x400, s4, s0, $0x38;
	[tilespmem:$0x1E100] =	vst v63  }
0x8e: {  	s2 =	sadd.s32 $0x60, s9;
	s10 =	simm.s32 $0x1B900  }
0x8f: {  	[tilespmem:s10], [sflag:$0x2] =	stream.strided.gather [hbm4b:s2+s0], $0x400, s4, s0, $0x38;
	[tilespmem:$0x1E100] =	vst v63  }
0x90: {  	s9 =	sadd.s32 $0x70, s9;
	s10 =	simm.s32 $0x1BD00  }
0x91: {  	[tilespmem:s10], [sflag:$0x2] =	stream.strided.gather [hbm4b:s9+s0], $0x400, s4, s0, $0x38;
	[tilespmem:$0x1E100] =	vst v63  }
0x92: {  	_ =	swait.ge [sflag:s24], $0x8000  }
0x93: {  	[sflag:s24] =	ssyncset.done $0x0  }
0x94: {  	[sflag:s24] =	ssyncadd.s32 $0xFFFF8000  }
0x95: {  	_ =	swait.ge [sflag:s24], $0x2000  }
0x96: {  	[sflag:s24] =	ssyncset.done $0x0  }
0x97: {  	[sflag:s24] =	ssyncadd.s32 $0xFFFFE000  }
0x98: {  	v3 =	vld [tilespmem:$0x40];
	_ =	sdelay $0x4  }
0x99: {  	v62 =	vshll.u32 v3, $0x3  }
0x9a: {  	v3 =	vand.u32 $0x7, v3;
	v4 =	vand.u32 $0xFFFFFFC0, v62  }
0x9b: {  	v3 =	vor.u32 v3, v4  }
0x9c: {  	v4 =	vperm.xlane v3, v0;
	_ =	sdelay $0x1  }
0x9d: {  	v4 =	vadd.s32 v1, v4;
	_ =	sdelay $0x3  }
0x9e: {  	s10 =	simm.s32 $0x10100  }
0x9f: {  	[tilespmem:s10], [sflag:$0x3] =	stream.indirect_vreg.gather [hbm4b:s1+s3], $0x80, v4, vm0, $0xb8;
	[tilespmem:$0x1E100] =	vst v63  }
0xa0: {  	s9 =	simm.s32 $0x10900;
	v3 =	vperm.xlane v3, v2  }
0xa1: {  	[tilespmem:s9], [sflag:$0x3] =	stream.indirect_vreg.gather [hbm4b:s5+s3], $0x80, v4, vm0, $0xb8;
	[tilespmem:$0x1E100] =	vst v63  }
0xa2: {  	v3 =	vadd.s32 v1, v3;
	s10 =	simm.s32 $0x11100  }
0xa3: {  	[tilespmem:s10], [sflag:$0x3] =	stream.indirect_vreg.gather [hbm4b:s6+s3], $0x80, v4, vm0, $0xb8;
	[tilespmem:$0x1E100] =	vst v63  }
0xa4: {  	s9 =	simm.s32 $0x11900  }
0xa5: {  	[tilespmem:s9], [sflag:$0x3] =	stream.indirect_vreg.gather [hbm4b:s8+s3], $0x80, v4, vm0, $0xb8;
	[tilespmem:$0x1E100] =	vst v63  }
0xa6: {  	s10 =	simm.s32 $0x12100  }
0xa7: {  	[tilespmem:s10], [sflag:$0x3] =	stream.indirect_vreg.gather [hbm4b:s1+s3], $0x80, v3, vm0, $0xb8;
	[tilespmem:$0x1E100] =	vst v63  }
0xa8: {  	s9 =	simm.s32 $0x12900  }
0xa9: {  	[tilespmem:s9], [sflag:$0x3] =	stream.indirect_vreg.gather [hbm4b:s5+s3], $0x80, v3, vm0, $0xb8;
	[tilespmem:$0x1E100] =	vst v63  }
0xaa: {  	s10 =	simm.s32 $0x13100  }
0xab: {  	[tilespmem:s10], [sflag:$0x3] =	stream.indirect_vreg.gather [hbm4b:s6+s3], $0x80, v3, vm0, $0xb8;
	[tilespmem:$0x1E100] =	vst v63  }
0xac: {  	s9 =	simm.s32 $0x13900  }
0xad: {  	[tilespmem:s9], [sflag:$0x3] =	stream.indirect_vreg.gather [hbm4b:s8+s3], $0x80, v3, vm0, $0xb8;
	[tilespmem:$0x1E100] =	vst v63  }
0xae: {  	v3 =	vld [tilespmem:$0x50];
	_ =	sdelay $0x4  }
0xaf: {  	v63 =	vshll.u32 v3, $0x3  }
0xb0: {  	v3 =	vand.u32 $0x7, v3;
	v4 =	vand.u32 $0xFFFFFFC0, v63  }
0xb1: {  	v3 =	vor.u32 v3, v4  }
0xb2: {  	v4 =	vperm.xlane v3, v0;
	_ =	sdelay $0x1  }
0xb3: {  	v4 =	vadd.s32 v1, v4;
	_ =	sdelay $0x3  }
0xb4: {  	s10 =	simm.s32 $0x14100  }
0xb5: {  	[tilespmem:s10], [sflag:$0x3] =	stream.indirect_vreg.gather [hbm4b:s1+s3], $0x80, v4, vm0, $0xb8;
	[tilespmem:$0x1E100] =	vst v63  }
0xb6: {  	s9 =	simm.s32 $0x14900;
	v3 =	vperm.xlane v3, v2  }
0xb7: {  	[tilespmem:s9], [sflag:$0x3] =	stream.indirect_vreg.gather [hbm4b:s5+s3], $0x80, v4, vm0, $0xb8;
	[tilespmem:$0x1E100] =	vst v63  }
0xb8: {  	v3 =	vadd.s32 v1, v3;
	s10 =	simm.s32 $0x15100  }
0xb9: {  	[tilespmem:s10], [sflag:$0x3] =	stream.indirect_vreg.gather [hbm4b:s6+s3], $0x80, v4, vm0, $0xb8;
	[tilespmem:$0x1E100] =	vst v63  }
0xba: {  	s9 =	simm.s32 $0x15900  }
0xbb: {  	[tilespmem:s9], [sflag:$0x3] =	stream.indirect_vreg.gather [hbm4b:s8+s3], $0x80, v4, vm0, $0xb8;
	[tilespmem:$0x1E100] =	vst v63  }
0xbc: {  	s10 =	simm.s32 $0x16100  }
0xbd: {  	[tilespmem:s10], [sflag:$0x3] =	stream.indirect_vreg.gather [hbm4b:s1+s3], $0x80, v3, vm0, $0xb8;
	[tilespmem:$0x1E100] =	vst v63  }
0xbe: {  	s9 =	simm.s32 $0x16900  }
0xbf: {  	[tilespmem:s9], [sflag:$0x3] =	stream.indirect_vreg.gather [hbm4b:s5+s3], $0x80, v3, vm0, $0xb8;
	[tilespmem:$0x1E100] =	vst v63  }
0xc0: {  	s10 =	simm.s32 $0x17100  }
0xc1: {  	[tilespmem:s10], [sflag:$0x3] =	stream.indirect_vreg.gather [hbm4b:s6+s3], $0x80, v3, vm0, $0xb8;
	[tilespmem:$0x1E100] =	vst v63  }
0xc2: {  	s9 =	simm.s32 $0x17900  }
0xc3: {  	[tilespmem:s9], [sflag:$0x3] =	stream.indirect_vreg.gather [hbm4b:s8+s3], $0x80, v3, vm0, $0xb8;
	[tilespmem:$0x1E100] =	vst v63  }
0xc4: {  	s10 =	simm.s32 $0x1C100;
	s9 =	rddreg [dreg:$0x7]  }
0xc5: {  	[tilespmem:s10], [sflag:$0x3] =	stream.strided.gather [hbm4b:s9+s0], $0x400, s4, s0, $0x38;
	[tilespmem:$0x1E100] =	vst v63  }
0xc6: {  	s2 =	sadd.s32 $0x10, s9;
	s10 =	simm.s32 $0x1C500  }
0xc7: {  	[tilespmem:s10], [sflag:$0x3] =	stream.strided.gather [hbm4b:s2+s0], $0x400, s4, s0, $0x38;
	[tilespmem:$0x1E100] =	vst v63  }
0xc8: {  	s2 =	sadd.s32 $0x20, s9;
	s10 =	simm.s32 $0x1C900  }
0xc9: {  	[tilespmem:s10], [sflag:$0x3] =	stream.strided.gather [hbm4b:s2+s0], $0x400, s4, s0, $0x38;
	[tilespmem:$0x1E100] =	vst v63  }
0xca: {  	s2 =	sadd.s32 $0x30, s9;
	s10 =	simm.s32 $0x1CD00  }
0xcb: {  	[tilespmem:s10], [sflag:$0x3] =	stream.strided.gather [hbm4b:s2+s0], $0x400, s4, s0, $0x38;
	[tilespmem:$0x1E100] =	vst v63  }
0xcc: {  	s2 =	sadd.s32 $0x40, s9;
	s10 =	simm.s32 $0x1D100  }
0xcd: {  	[tilespmem:s10], [sflag:$0x3] =	stream.strided.gather [hbm4b:s2+s0], $0x400, s4, s0, $0x38;
	[tilespmem:$0x1E100] =	vst v63  }
0xce: {  	s2 =	sadd.s32 $0x50, s9;
	s10 =	simm.s32 $0x1D500  }
0xcf: {  	[tilespmem:s10], [sflag:$0x3] =	stream.strided.gather [hbm4b:s2+s0], $0x400, s4, s0, $0x38;
	[tilespmem:$0x1E100] =	vst v63  }
0xd0: {  	s2 =	sadd.s32 $0x60, s9;
	s10 =	simm.s32 $0x1D900  }
0xd1: {  	[tilespmem:s10], [sflag:$0x3] =	stream.strided.gather [hbm4b:s2+s0], $0x400, s4, s0, $0x38;
	[tilespmem:$0x1E100] =	vst v63  }
0xd2: {  	s9 =	sadd.s32 $0x70, s9;
	s10 =	simm.s32 $0x1DD00  }
0xd3: {  	[tilespmem:s10], [sflag:$0x3] =	stream.strided.gather [hbm4b:s9+s0], $0x400, s4, s0, $0x38;
	[tilespmem:$0x1E100] =	vst v63  }
0xd4: {  	s10 =	simm.s32 $0x100  }
0xd5: {  	[hbm4b:s11+s25] =	stream.strided.scatter [tilespmem:s10], [sflag:$0x4], $0x400, s26, s25, $0x38;
	[tilespmem:$0x1E100] =	vst v63  }
0xd6: {  	s9 =	simm.s32 $0x500;
	s10 =	sadd.s32 $0x40, s11  }
0xd7: {  	[hbm4b:s10+s25] =	stream.strided.scatter [tilespmem:s9], [sflag:$0x4], $0x400, s26, s25, $0x38;
	[tilespmem:$0x1E100] =	vst v63  }
0xd8: {  	s9 =	simm.s32 $0x900;
	s10 =	sadd.s32 $0x80, s11  }
0xd9: {  	[hbm4b:s10+s25] =	stream.strided.scatter [tilespmem:s9], [sflag:$0x4], $0x400, s26, s25, $0x38;
	[tilespmem:$0x1E100] =	vst v63  }
0xda: {  	s9 =	simm.s32 $0xD00;
	s10 =	sadd.s32 $0xC0, s11  }
0xdb: {  	[hbm4b:s10+s25] =	stream.strided.scatter [tilespmem:s9], [sflag:$0x4], $0x400, s26, s25, $0x38;
	[tilespmem:$0x1E100] =	vst v63  }
0xdc: {  	s9 =	simm.s32 $0x1100;
	s10 =	sadd.s32 $0x100, s11  }
0xdd: {  	[hbm4b:s10+s25] =	stream.strided.scatter [tilespmem:s9], [sflag:$0x4], $0x400, s26, s25, $0x38;
	[tilespmem:$0x1E100] =	vst v63  }
0xde: {  	s29 =	simm.s32 $0x2000;
	s9 =	simm.s32 $0x1500;
	s10 =	sadd.s32 $0x140, s11  }
0xdf: {  	[hbm4b:s10+s25] =	stream.strided.scatter [tilespmem:s9], [sflag:$0x4], $0x400, s26, s25, $0x38;
	[tilespmem:$0x1E100] =	vst v63  }
0xe0: {  	s30 =	simm.s32 $0x10000;
	s9 =	simm.s32 $0x1900;
	s10 =	sadd.s32 $0x180, s11  }
0xe1: {  	[hbm4b:s10+s25] =	stream.strided.scatter [tilespmem:s9], [sflag:$0x4], $0x400, s26, s25, $0x38;
	[tilespmem:$0x1E100] =	vst v63  }
0xe2: {  	s31 =	sadd.s32 $0x400, s11;
	s2 =	simm.s32 $0x1D00;
	s9 =	sadd.s32 $0x1C0, s11  }
.LBB2_2:
0xe3: {  	[hbm4b:s9+s25] =	stream.strided.scatter [tilespmem:s2], [sflag:$0x4], $0x400, s26, s25, $0x38;
	[tilespmem:$0x1E100] =	vst v63  }
0xe4: {  	s2 =	smov.u32 s29;
	s9 =	smov.u32 s30  }
0xe5: {  	s10 =	sadd.s32 $0x8000, s30;
	s29 =	sshra.s32 s9, $0x2;
	s9 =	sadd.s32 $0x100, s2  }
0xe6: {  	[hbm4b:s31+s25] =	stream.strided.scatter [tilespmem:s9], [sflag:$0x4], $0x400, s26, s25, $0x38;
	[tilespmem:$0x1E100] =	vst v63  }
0xe7: {  	p0 =	sne.s32 s30, $0x18000;
	s30 =	sadd.s32 $0x40, s31;
	s9 =	sadd.s32 $0x500, s2  }
0xe8: {  	[hbm4b:s30+s25] =	stream.strided.scatter [tilespmem:s9], [sflag:$0x4], $0x400, s26, s25, $0x38;
	[tilespmem:$0x1E100] =	vst v63  }
0xe9: {  	s9 =	sadd.s32 $0x900, s2;
	s30 =	sadd.s32 $0x80, s31  }
0xea: {  	[hbm4b:s30+s25] =	stream.strided.scatter [tilespmem:s9], [sflag:$0x4], $0x400, s26, s25, $0x38;
	[tilespmem:$0x1E100] =	vst v63  }
0xeb: {  	s9 =	sadd.s32 $0xD00, s2;
	s30 =	sadd.s32 $0xC0, s31  }
0xec: {  	[hbm4b:s30+s25] =	stream.strided.scatter [tilespmem:s9], [sflag:$0x4], $0x400, s26, s25, $0x38;
	[tilespmem:$0x1E100] =	vst v63  }
0xed: {  	s9 =	sadd.s32 $0x1100, s2;
	s30 =	sadd.s32 $0x100, s31  }
0xee: {  	[hbm4b:s30+s25] =	stream.strided.scatter [tilespmem:s9], [sflag:$0x4], $0x400, s26, s25, $0x38;
	[tilespmem:$0x1E100] =	vst v63  }
.Ltmp0:
0xef: {  	s9 =	sadd.s32 $0x1500, s2;
	s30 =	sadd.s32 $0x140, s31;
	(pc) =	sbr.rel @p0 .LBB2_2-.Ltmp0, $4  }
0xf0: {  	[hbm4b:s30+s25] =	stream.strided.scatter [tilespmem:s9], [sflag:$0x4], $0x400, s26, s25, $0x38;
	[tilespmem:$0x1E100] =	vst v63  }
0xf1: {  	s9 =	sadd.s32 $0x1900, s2;
	s30 =	sadd.s32 $0x180, s31;
	s2 =	sadd.s32 $0x1D00, s2  }
0xf2: {  	[hbm4b:s30+s25] =	stream.strided.scatter [tilespmem:s9], [sflag:$0x4], $0x400, s26, s25, $0x38;
	[tilespmem:$0x1E100] =	vst v63  }
0xf3: {  	s9 =	sadd.s32 $0x1C0, s31;
	s31 =	sadd.s32 $0x400, s31;
	s30 =	smov.u32 s10  }
0xf4: {  	[hbm4b:s9+s25] =	stream.strided.scatter [tilespmem:s2], [sflag:$0x4], $0x400, s26, s25, $0x38;
	[tilespmem:$0x1E100] =	vst v63  }
0xf5: {  	s10 =	sadd.s32 $0x100, s29  }
0xf6: {  	[hbm4b:s31+s25] =	stream.strided.scatter [tilespmem:s10], [sflag:$0x4], $0x400, s26, s25, $0x38;
	[tilespmem:$0x1E100] =	vst v63  }
0xf7: {  	s9 =	sadd.s32 $0x500, s29;
	s10 =	sadd.s32 $0x40, s31  }
0xf8: {  	[hbm4b:s10+s25] =	stream.strided.scatter [tilespmem:s9], [sflag:$0x4], $0x400, s26, s25, $0x38;
	[tilespmem:$0x1E100] =	vst v63  }
0xf9: {  	s9 =	sadd.s32 $0x900, s29;
	s10 =	sadd.s32 $0x80, s31  }
0xfa: {  	[hbm4b:s10+s25] =	stream.strided.scatter [tilespmem:s9], [sflag:$0x4], $0x400, s26, s25, $0x38;
	[tilespmem:$0x1E100] =	vst v63  }
0xfb: {  	s9 =	sadd.s32 $0xD00, s29;
	s10 =	sadd.s32 $0xC0, s31  }
0xfc: {  	[hbm4b:s10+s25] =	stream.strided.scatter [tilespmem:s9], [sflag:$0x4], $0x400, s26, s25, $0x38;
	[tilespmem:$0x1E100] =	vst v63  }
0xfd: {  	s9 =	sadd.s32 $0x1100, s29;
	s10 =	sadd.s32 $0x100, s31  }
0xfe: {  	[hbm4b:s10+s25] =	stream.strided.scatter [tilespmem:s9], [sflag:$0x4], $0x400, s26, s25, $0x38;
	[tilespmem:$0x1E100] =	vst v63  }
0xff: {  	s9 =	sadd.s32 $0x1500, s29;
	s10 =	sadd.s32 $0x140, s31  }
0x100: {  	[hbm4b:s10+s25] =	stream.strided.scatter [tilespmem:s9], [sflag:$0x4], $0x400, s26, s25, $0x38;
	[tilespmem:$0x1E100] =	vst v63  }
0x101: {  	s9 =	sadd.s32 $0x1900, s29;
	s10 =	sadd.s32 $0x180, s31  }
0x102: {  	[hbm4b:s10+s25] =	stream.strided.scatter [tilespmem:s9], [sflag:$0x4], $0x400, s26, s25, $0x38;
	[tilespmem:$0x1E100] =	vst v63  }
0x103: {  	s9 =	sadd.s32 $0x1D00, s29;
	s10 =	sadd.s32 $0x1C0, s31  }
0x104: {  	[hbm4b:s10+s25] =	stream.strided.scatter [tilespmem:s9], [sflag:$0x4], $0x400, s26, s25, $0x38;
	[tilespmem:$0x1E100] =	vst v63  }
0x105: {  	_ =	swait.ge [sflag:s28], $0x8000  }
0x106: {  	[sflag:s28] =	ssyncset.done $0x0  }
0x107: {  	[sflag:s28] =	ssyncadd.s32 $0xFFFF8000  }
0x108: {  	_ =	swait.ge [sflag:s28], $0x2000  }
0x109: {  	[sflag:s28] =	ssyncset.done $0x0  }
0x10a: {  	s9 =	simm.s32 $0x4;
	[sflag:s28] =	ssyncadd.s32 $0xFFFFE000  }
0x10b: {  	_ =	swait.ge [sflag:s9], $0x8000  }
0x10c: {  	[sflag:s9] =	ssyncset.done $0x0  }
0x10d: {  	[sflag:s9] =	ssyncadd.s32 $0xFFFF8000  }
0x10e: {  	v3 =	vld [tilespmem:$0x60];
	_ =	sdelay $0x4  }
0x10f: {  	v4 =	vshll.u32 v3, $0x3  }
0x110: {  	v3 =	vand.u32 $0x7, v3;
	v4 =	vand.u32 $0xFFFFFFC0, v4  }
0x111: {  	v3 =	vor.u32 v3, v4  }
0x112: {  	v4 =	vperm.xlane v3, v0;
	_ =	sdelay $0x1  }
0x113: {  	v4 =	vadd.s32 v1, v4;
	_ =	sdelay $0x3  }
0x114: {  	s2 =	simm.s32 $0x0;
	s10 =	simm.s32 $0x100  }
0x115: {  	[tilespmem:s10], [sflag:$0x1] =	stream.indirect_vreg.gather [hbm4b:s1+s2], $0x80, v4, vm0, $0xb8;
	[tilespmem:$0x1E100] =	vst v63  }
0x116: {  	v3 =	vperm.xlane v3, v2;
	s10 =	simm.s32 $0x900  }
0x117: {  	[tilespmem:s10], [sflag:$0x1] =	stream.indirect_vreg.gather [hbm4b:s5+s2], $0x80, v4, vm0, $0xb8;
	[tilespmem:$0x1E100] =	vst v63  }
0x118: {  	v3 =	vadd.s32 v1, v3;
	s10 =	simm.s32 $0x1100  }
0x119: {  	[tilespmem:s10], [sflag:$0x1] =	stream.indirect_vreg.gather [hbm4b:s6+s2], $0x80, v4, vm0, $0xb8;
	[tilespmem:$0x1E100] =	vst v63  }
0x11a: {  	s10 =	simm.s32 $0x1900  }
0x11b: {  	[tilespmem:s10], [sflag:$0x1] =	stream.indirect_vreg.gather [hbm4b:s8+s2], $0x80, v4, vm0, $0xb8;
	[tilespmem:$0x1E100] =	vst v63  }
0x11c: {  	s10 =	simm.s32 $0x2100  }
0x11d: {  	[tilespmem:s10], [sflag:$0x1] =	stream.indirect_vreg.gather [hbm4b:s1+s2], $0x80, v3, vm0, $0xb8;
	[tilespmem:$0x1E100] =	vst v63  }
0x11e: {  	s10 =	simm.s32 $0x2900  }
0x11f: {  	[tilespmem:s10], [sflag:$0x1] =	stream.indirect_vreg.gather [hbm4b:s5+s2], $0x80, v3, vm0, $0xb8;
	[tilespmem:$0x1E100] =	vst v63  }
0x120: {  	s10 =	simm.s32 $0x3100  }
0x121: {  	[tilespmem:s10], [sflag:$0x1] =	stream.indirect_vreg.gather [hbm4b:s6+s2], $0x80, v3, vm0, $0xb8;
	[tilespmem:$0x1E100] =	vst v63  }
0x122: {  	s10 =	simm.s32 $0x3900  }
0x123: {  	[tilespmem:s10], [sflag:$0x1] =	stream.indirect_vreg.gather [hbm4b:s8+s2], $0x80, v3, vm0, $0xb8;
	[tilespmem:$0x1E100] =	vst v63  }
0x124: {  	v3 =	vld [tilespmem:$0x70];
	_ =	sdelay $0x4  }
0x125: {  	v63 =	vshll.u32 v3, $0x3  }
0x126: {  	v3 =	vand.u32 $0x7, v3;
	v4 =	vand.u32 $0xFFFFFFC0, v63  }
0x127: {  	v3 =	vor.u32 v3, v4  }
0x128: {  	v4 =	vperm.xlane v3, v0;
	_ =	sdelay $0x1  }
0x129: {  	v4 =	vadd.s32 v1, v4;
	_ =	sdelay $0x3  }
0x12a: {  	s10 =	simm.s32 $0x4100  }
0x12b: {  	[tilespmem:s10], [sflag:$0x1] =	stream.indirect_vreg.gather [hbm4b:s1+s2], $0x80, v4, vm0, $0xb8;
	[tilespmem:$0x1E100] =	vst v63  }
0x12c: {  	v3 =	vperm.xlane v3, v2;
	s10 =	simm.s32 $0x4900  }
0x12d: {  	[tilespmem:s10], [sflag:$0x1] =	stream.indirect_vreg.gather [hbm4b:s5+s2], $0x80, v4, vm0, $0xb8;
	[tilespmem:$0x1E100] =	vst v63  }
0x12e: {  	v3 =	vadd.s32 v1, v3;
	s10 =	simm.s32 $0x5100  }
0x12f: {  	[tilespmem:s10], [sflag:$0x1] =	stream.indirect_vreg.gather [hbm4b:s6+s2], $0x80, v4, vm0, $0xb8;
	[tilespmem:$0x1E100] =	vst v63  }
0x130: {  	s10 =	simm.s32 $0x5900  }
0x131: {  	[tilespmem:s10], [sflag:$0x1] =	stream.indirect_vreg.gather [hbm4b:s8+s2], $0x80, v4, vm0, $0xb8;
	[tilespmem:$0x1E100] =	vst v63  }
0x132: {  	s10 =	simm.s32 $0x6100  }
0x133: {  	[tilespmem:s10], [sflag:$0x1] =	stream.indirect_vreg.gather [hbm4b:s1+s2], $0x80, v3, vm0, $0xb8;
	[tilespmem:$0x1E100] =	vst v63  }
0x134: {  	s10 =	simm.s32 $0x6900  }
0x135: {  	[tilespmem:s10], [sflag:$0x1] =	stream.indirect_vreg.gather [hbm4b:s5+s2], $0x80, v3, vm0, $0xb8;
	[tilespmem:$0x1E100] =	vst v63  }
0x136: {  	s10 =	simm.s32 $0x7100  }
0x137: {  	[tilespmem:s10], [sflag:$0x1] =	stream.indirect_vreg.gather [hbm4b:s6+s2], $0x80, v3, vm0, $0xb8;
	[tilespmem:$0x1E100] =	vst v63  }
0x138: {  	s10 =	simm.s32 $0x7900  }
0x139: {  	[tilespmem:s10], [sflag:$0x1] =	stream.indirect_vreg.gather [hbm4b:s8+s2], $0x80, v3, vm0, $0xb8;
	[tilespmem:$0x1E100] =	vst v63  }
0x13a: {  	s10 =	simm.s32 $0x18100  }
0x13b: {  	[tilespmem:s10], [sflag:$0x1] =	stream.strided.gather [hbm4b:s12+s0], $0x400, s4, s0, $0x38;
	[tilespmem:$0x1E100] =	vst v63  }
0x13c: {  	s9 =	sadd.s32 $0x10, s12;
	s10 =	simm.s32 $0x18500  }
0x13d: {  	[tilespmem:s10], [sflag:$0x1] =	stream.strided.gather [hbm4b:s9+s0], $0x400, s4, s0, $0x38;
	[tilespmem:$0x1E100] =	vst v63  }
0x13e: {  	s9 =	sadd.s32 $0x20, s12;
	s10 =	simm.s32 $0x18900  }
0x13f: {  	[tilespmem:s10], [sflag:$0x1] =	stream.strided.gather [hbm4b:s9+s0], $0x400, s4, s0, $0x38;
	[tilespmem:$0x1E100] =	vst v63  }
0x140: {  	s9 =	sadd.s32 $0x30, s12;
	s10 =	simm.s32 $0x18D00  }
0x141: {  	[tilespmem:s10], [sflag:$0x1] =	stream.strided.gather [hbm4b:s9+s0], $0x400, s4, s0, $0x38;
	[tilespmem:$0x1E100] =	vst v63  }
0x142: {  	s9 =	sadd.s32 $0x40, s12;
	s10 =	simm.s32 $0x19100  }
0x143: {  	[tilespmem:s10], [sflag:$0x1] =	stream.strided.gather [hbm4b:s9+s0], $0x400, s4, s0, $0x38;
	[tilespmem:$0x1E100] =	vst v63  }
0x144: {  	s9 =	sadd.s32 $0x50, s12;
	s10 =	simm.s32 $0x19500  }
0x145: {  	[tilespmem:s10], [sflag:$0x1] =	stream.strided.gather [hbm4b:s9+s0], $0x400, s4, s0, $0x38;
	[tilespmem:$0x1E100] =	vst v63  }
0x146: {  	s9 =	sadd.s32 $0x60, s12;
	s10 =	simm.s32 $0x19900  }
0x147: {  	[tilespmem:s10], [sflag:$0x1] =	stream.strided.gather [hbm4b:s9+s0], $0x400, s4, s0, $0x38;
	[tilespmem:$0x1E100] =	vst v63  }
0x148: {  	s9 =	sadd.s32 $0x70, s12;
	s10 =	simm.s32 $0x19D00  }
0x149: {  	[tilespmem:s10], [sflag:$0x1] =	stream.strided.gather [hbm4b:s9+s0], $0x400, s4, s0, $0x38;
	[tilespmem:$0x1E100] =	vst v63  }
0x14a: {  	s10 =	simm.s32 $0x8100  }
0x14b: {  	[hbm4b:s13+s25] =	stream.strided.scatter [tilespmem:s10], [sflag:$0x5], $0x400, s26, s25, $0x38;
	[tilespmem:$0x1E100] =	vst v63  }
0x14c: {  	s9 =	simm.s32 $0x8500;
	s10 =	sadd.s32 $0x40, s13  }
0x14d: {  	[hbm4b:s10+s25] =	stream.strided.scatter [tilespmem:s9], [sflag:$0x5], $0x400, s26, s25, $0x38;
	[tilespmem:$0x1E100] =	vst v63  }
0x14e: {  	s9 =	simm.s32 $0x8900;
	s10 =	sadd.s32 $0x80, s13  }
0x14f: {  	[hbm4b:s10+s25] =	stream.strided.scatter [tilespmem:s9], [sflag:$0x5], $0x400, s26, s25, $0x38;
	[tilespmem:$0x1E100] =	vst v63  }
0x150: {  	s9 =	simm.s32 $0x8D00;
	s10 =	sadd.s32 $0xC0, s13  }
0x151: {  	[hbm4b:s10+s25] =	stream.strided.scatter [tilespmem:s9], [sflag:$0x5], $0x400, s26, s25, $0x38;
	[tilespmem:$0x1E100] =	vst v63  }
0x152: {  	s9 =	simm.s32 $0x9100;
	s10 =	sadd.s32 $0x100, s13  }
0x153: {  	[hbm4b:s10+s25] =	stream.strided.scatter [tilespmem:s9], [sflag:$0x5], $0x400, s26, s25, $0x38;
	[tilespmem:$0x1E100] =	vst v63  }
0x154: {  	s30 =	simm.s32 $0x10000;
	s9 =	simm.s32 $0x9500;
	s10 =	sadd.s32 $0x140, s13  }
0x155: {  	[hbm4b:s10+s25] =	stream.strided.scatter [tilespmem:s9], [sflag:$0x5], $0x400, s26, s25, $0x38;
	[tilespmem:$0x1E100] =	vst v63  }
0x156: {  	s29 =	simm.s32 $0x2000;
	s9 =	simm.s32 $0x9900;
	s10 =	sadd.s32 $0x180, s13  }
0x157: {  	[hbm4b:s10+s25] =	stream.strided.scatter [tilespmem:s9], [sflag:$0x5], $0x400, s26, s25, $0x38;
	[tilespmem:$0x1E100] =	vst v63  }
0x158: {  	s31 =	sadd.s32 $0x400, s13;
	s2 =	simm.s32 $0x9D00;
	s9 =	sadd.s32 $0x1C0, s13  }
.LBB2_4:
0x159: {  	[hbm4b:s9+s25] =	stream.strided.scatter [tilespmem:s2], [sflag:$0x5], $0x400, s26, s25, $0x38;
	[tilespmem:$0x1E100] =	vst v63  }
0x15a: {  	s2 =	smov.u32 s29;
	s9 =	smov.u32 s30  }
0x15b: {  	s10 =	sadd.s32 $0x8000, s30;
	s29 =	sshra.s32 s9, $0x2;
	s9 =	sadd.s32 $0x8100, s2  }
0x15c: {  	[hbm4b:s31+s25] =	stream.strided.scatter [tilespmem:s9], [sflag:$0x5], $0x400, s26, s25, $0x38;
	[tilespmem:$0x1E100] =	vst v63  }
0x15d: {  	p0 =	sne.s32 s30, $0x18000;
	s30 =	sadd.s32 $0x40, s31;
	s9 =	sadd.s32 $0x8500, s2  }
0x15e: {  	[hbm4b:s30+s25] =	stream.strided.scatter [tilespmem:s9], [sflag:$0x5], $0x400, s26, s25, $0x38;
	[tilespmem:$0x1E100] =	vst v63  }
0x15f: {  	s9 =	sadd.s32 $0x8900, s2;
	s30 =	sadd.s32 $0x80, s31  }
0x160: {  	[hbm4b:s30+s25] =	stream.strided.scatter [tilespmem:s9], [sflag:$0x5], $0x400, s26, s25, $0x38;
	[tilespmem:$0x1E100] =	vst v63  }
0x161: {  	s9 =	sadd.s32 $0x8D00, s2;
	s30 =	sadd.s32 $0xC0, s31  }
0x162: {  	[hbm4b:s30+s25] =	stream.strided.scatter [tilespmem:s9], [sflag:$0x5], $0x400, s26, s25, $0x38;
	[tilespmem:$0x1E100] =	vst v63  }
0x163: {  	s9 =	sadd.s32 $0x9100, s2;
	s30 =	sadd.s32 $0x100, s31  }
0x164: {  	[hbm4b:s30+s25] =	stream.strided.scatter [tilespmem:s9], [sflag:$0x5], $0x400, s26, s25, $0x38;
	[tilespmem:$0x1E100] =	vst v63  }
.Ltmp1:
0x165: {  	s9 =	sadd.s32 $0x9500, s2;
	s30 =	sadd.s32 $0x140, s31;
	(pc) =	sbr.rel @p0 .LBB2_4-.Ltmp1, $4  }
0x166: {  	[hbm4b:s30+s25] =	stream.strided.scatter [tilespmem:s9], [sflag:$0x5], $0x400, s26, s25, $0x38;
	[tilespmem:$0x1E100] =	vst v63  }
0x167: {  	s9 =	sadd.s32 $0x9900, s2;
	s30 =	sadd.s32 $0x180, s31;
	s2 =	sadd.s32 $0x9D00, s2  }
0x168: {  	[hbm4b:s30+s25] =	stream.strided.scatter [tilespmem:s9], [sflag:$0x5], $0x400, s26, s25, $0x38;
	[tilespmem:$0x1E100] =	vst v63  }
0x169: {  	s9 =	sadd.s32 $0x1C0, s31;
	s31 =	sadd.s32 $0x400, s31;
	s30 =	smov.u32 s10  }
0x16a: {  	[hbm4b:s9+s25] =	stream.strided.scatter [tilespmem:s2], [sflag:$0x5], $0x400, s26, s25, $0x38;
	[tilespmem:$0x1E100] =	vst v63  }
0x16b: {  	s10 =	sadd.s32 $0x8100, s29  }
0x16c: {  	[hbm4b:s31+s25] =	stream.strided.scatter [tilespmem:s10], [sflag:$0x5], $0x400, s26, s25, $0x38;
	[tilespmem:$0x1E100] =	vst v63  }
0x16d: {  	s9 =	sadd.s32 $0x8500, s29;
	s10 =	sadd.s32 $0x40, s31  }
0x16e: {  	[hbm4b:s10+s25] =	stream.strided.scatter [tilespmem:s9], [sflag:$0x5], $0x400, s26, s25, $0x38;
	[tilespmem:$0x1E100] =	vst v63  }
0x16f: {  	s9 =	sadd.s32 $0x8900, s29;
	s10 =	sadd.s32 $0x80, s31  }
0x170: {  	[hbm4b:s10+s25] =	stream.strided.scatter [tilespmem:s9], [sflag:$0x5], $0x400, s26, s25, $0x38;
	[tilespmem:$0x1E100] =	vst v63  }
0x171: {  	s9 =	sadd.s32 $0x8D00, s29;
	s10 =	sadd.s32 $0xC0, s31  }
0x172: {  	[hbm4b:s10+s25] =	stream.strided.scatter [tilespmem:s9], [sflag:$0x5], $0x400, s26, s25, $0x38;
	[tilespmem:$0x1E100] =	vst v63  }
0x173: {  	s9 =	sadd.s32 $0x9100, s29;
	s10 =	sadd.s32 $0x100, s31  }
0x174: {  	[hbm4b:s10+s25] =	stream.strided.scatter [tilespmem:s9], [sflag:$0x5], $0x400, s26, s25, $0x38;
	[tilespmem:$0x1E100] =	vst v63  }
0x175: {  	s9 =	sadd.s32 $0x9500, s29;
	s10 =	sadd.s32 $0x140, s31  }
0x176: {  	[hbm4b:s10+s25] =	stream.strided.scatter [tilespmem:s9], [sflag:$0x5], $0x400, s26, s25, $0x38;
	[tilespmem:$0x1E100] =	vst v63  }
0x177: {  	s9 =	sadd.s32 $0x9900, s29;
	s10 =	sadd.s32 $0x180, s31  }
0x178: {  	[hbm4b:s10+s25] =	stream.strided.scatter [tilespmem:s9], [sflag:$0x5], $0x400, s26, s25, $0x38;
	[tilespmem:$0x1E100] =	vst v63  }
0x179: {  	s9 =	sadd.s32 $0x9D00, s29;
	s10 =	sadd.s32 $0x1C0, s31  }
0x17a: {  	[hbm4b:s10+s25] =	stream.strided.scatter [tilespmem:s9], [sflag:$0x5], $0x400, s26, s25, $0x38;
	[tilespmem:$0x1E100] =	vst v63  }
0x17b: {  	s10 =	simm.s32 $0x3  }
0x17c: {  	_ =	swait.ge [sflag:s10], $0x8000  }
0x17d: {  	[sflag:s10] =	ssyncset.done $0x0  }
0x17e: {  	[sflag:s10] =	ssyncadd.s32 $0xFFFF8000  }
0x17f: {  	_ =	swait.ge [sflag:s10], $0x2000  }
0x180: {  	[sflag:s10] =	ssyncset.done $0x0  }
0x181: {  	s9 =	simm.s32 $0x5;
	[sflag:s10] =	ssyncadd.s32 $0xFFFFE000  }
0x182: {  	_ =	swait.ge [sflag:s9], $0x8000  }
0x183: {  	[sflag:s9] =	ssyncset.done $0x0  }
0x184: {  	[sflag:s9] =	ssyncadd.s32 $0xFFFF8000  }
0x185: {  	v3 =	vld [tilespmem:$0x80];
	_ =	sdelay $0x4  }
0x186: {  	v4 =	vshll.u32 v3, $0x3  }
0x187: {  	v3 =	vand.u32 $0x7, v3;
	v4 =	vand.u32 $0xFFFFFFC0, v4  }
0x188: {  	v3 =	vor.u32 v3, v4  }
0x189: {  	v4 =	vperm.xlane v3, v0;
	_ =	sdelay $0x1  }
0x18a: {  	v4 =	vadd.s32 v1, v4;
	_ =	sdelay $0x3  }
0x18b: {  	s2 =	simm.s32 $0x0;
	s10 =	simm.s32 $0x8100  }
0x18c: {  	[tilespmem:s10], [sflag:$0x2] =	stream.indirect_vreg.gather [hbm4b:s1+s2], $0x80, v4, vm0, $0xb8;
	[tilespmem:$0x1E100] =	vst v63  }
0x18d: {  	v3 =	vperm.xlane v3, v2;
	s10 =	simm.s32 $0x8900  }
0x18e: {  	[tilespmem:s10], [sflag:$0x2] =	stream.indirect_vreg.gather [hbm4b:s5+s2], $0x80, v4, vm0, $0xb8;
	[tilespmem:$0x1E100] =	vst v63  }
0x18f: {  	v3 =	vadd.s32 v1, v3;
	s10 =	simm.s32 $0x9100  }
0x190: {  	[tilespmem:s10], [sflag:$0x2] =	stream.indirect_vreg.gather [hbm4b:s6+s2], $0x80, v4, vm0, $0xb8;
	[tilespmem:$0x1E100] =	vst v63  }
0x191: {  	s10 =	simm.s32 $0x9900  }
0x192: {  	[tilespmem:s10], [sflag:$0x2] =	stream.indirect_vreg.gather [hbm4b:s8+s2], $0x80, v4, vm0, $0xb8;
	[tilespmem:$0x1E100] =	vst v63  }
0x193: {  	s10 =	simm.s32 $0xA100  }
0x194: {  	[tilespmem:s10], [sflag:$0x2] =	stream.indirect_vreg.gather [hbm4b:s1+s2], $0x80, v3, vm0, $0xb8;
	[tilespmem:$0x1E100] =	vst v63  }
0x195: {  	s10 =	simm.s32 $0xA900  }
0x196: {  	[tilespmem:s10], [sflag:$0x2] =	stream.indirect_vreg.gather [hbm4b:s5+s2], $0x80, v3, vm0, $0xb8;
	[tilespmem:$0x1E100] =	vst v63  }
0x197: {  	s10 =	simm.s32 $0xB100  }
0x198: {  	[tilespmem:s10], [sflag:$0x2] =	stream.indirect_vreg.gather [hbm4b:s6+s2], $0x80, v3, vm0, $0xb8;
	[tilespmem:$0x1E100] =	vst v63  }
0x199: {  	s10 =	simm.s32 $0xB900  }
0x19a: {  	[tilespmem:s10], [sflag:$0x2] =	stream.indirect_vreg.gather [hbm4b:s8+s2], $0x80, v3, vm0, $0xb8;
	[tilespmem:$0x1E100] =	vst v63  }
0x19b: {  	v3 =	vld [tilespmem:$0x90];
	_ =	sdelay $0x4  }
0x19c: {  	v63 =	vshll.u32 v3, $0x3  }
0x19d: {  	v3 =	vand.u32 $0x7, v3;
	v4 =	vand.u32 $0xFFFFFFC0, v63  }
0x19e: {  	v3 =	vor.u32 v3, v4  }
0x19f: {  	v4 =	vperm.xlane v3, v0;
	_ =	sdelay $0x1  }
0x1a0: {  	v4 =	vadd.s32 v1, v4;
	_ =	sdelay $0x3  }
0x1a1: {  	s10 =	simm.s32 $0xC100  }
0x1a2: {  	[tilespmem:s10], [sflag:$0x2] =	stream.indirect_vreg.gather [hbm4b:s1+s2], $0x80, v4, vm0, $0xb8;
	[tilespmem:$0x1E100] =	vst v63  }
0x1a3: {  	v3 =	vperm.xlane v3, v2;
	s10 =	simm.s32 $0xC900  }
0x1a4: {  	[tilespmem:s10], [sflag:$0x2] =	stream.indirect_vreg.gather [hbm4b:s5+s2], $0x80, v4, vm0, $0xb8;
	[tilespmem:$0x1E100] =	vst v63  }
0x1a5: {  	v3 =	vadd.s32 v1, v3;
	s10 =	simm.s32 $0xD100  }
0x1a6: {  	[tilespmem:s10], [sflag:$0x2] =	stream.indirect_vreg.gather [hbm4b:s6+s2], $0x80, v4, vm0, $0xb8;
	[tilespmem:$0x1E100] =	vst v63  }
0x1a7: {  	s10 =	simm.s32 $0xD900  }
0x1a8: {  	[tilespmem:s10], [sflag:$0x2] =	stream.indirect_vreg.gather [hbm4b:s8+s2], $0x80, v4, vm0, $0xb8;
	[tilespmem:$0x1E100] =	vst v63  }
0x1a9: {  	s10 =	simm.s32 $0xE100  }
0x1aa: {  	[tilespmem:s10], [sflag:$0x2] =	stream.indirect_vreg.gather [hbm4b:s1+s2], $0x80, v3, vm0, $0xb8;
	[tilespmem:$0x1E100] =	vst v63  }
0x1ab: {  	s10 =	simm.s32 $0xE900  }
0x1ac: {  	[tilespmem:s10], [sflag:$0x2] =	stream.indirect_vreg.gather [hbm4b:s5+s2], $0x80, v3, vm0, $0xb8;
	[tilespmem:$0x1E100] =	vst v63  }
0x1ad: {  	s10 =	simm.s32 $0xF100  }
0x1ae: {  	[tilespmem:s10], [sflag:$0x2] =	stream.indirect_vreg.gather [hbm4b:s6+s2], $0x80, v3, vm0, $0xb8;
	[tilespmem:$0x1E100] =	vst v63  }
0x1af: {  	s10 =	simm.s32 $0xF900  }
0x1b0: {  	[tilespmem:s10], [sflag:$0x2] =	stream.indirect_vreg.gather [hbm4b:s8+s2], $0x80, v3, vm0, $0xb8;
	[tilespmem:$0x1E100] =	vst v63  }
0x1b1: {  	s10 =	simm.s32 $0x1A100  }
0x1b2: {  	[tilespmem:s10], [sflag:$0x2] =	stream.strided.gather [hbm4b:s14+s0], $0x400, s4, s0, $0x38;
	[tilespmem:$0x1E100] =	vst v63  }
0x1b3: {  	s9 =	sadd.s32 $0x10, s14;
	s10 =	simm.s32 $0x1A500  }
0x1b4: {  	[tilespmem:s10], [sflag:$0x2] =	stream.strided.gather [hbm4b:s9+s0], $0x400, s4, s0, $0x38;
	[tilespmem:$0x1E100] =	vst v63  }
0x1b5: {  	s9 =	sadd.s32 $0x20, s14;
	s10 =	simm.s32 $0x1A900  }
0x1b6: {  	[tilespmem:s10], [sflag:$0x2] =	stream.strided.gather [hbm4b:s9+s0], $0x400, s4, s0, $0x38;
	[tilespmem:$0x1E100] =	vst v63  }
0x1b7: {  	s9 =	sadd.s32 $0x30, s14;
	s10 =	simm.s32 $0x1AD00  }
0x1b8: {  	[tilespmem:s10], [sflag:$0x2] =	stream.strided.gather [hbm4b:s9+s0], $0x400, s4, s0, $0x38;
	[tilespmem:$0x1E100] =	vst v63  }
0x1b9: {  	s9 =	sadd.s32 $0x40, s14;
	s10 =	simm.s32 $0x1B100  }
0x1ba: {  	[tilespmem:s10], [sflag:$0x2] =	stream.strided.gather [hbm4b:s9+s0], $0x400, s4, s0, $0x38;
	[tilespmem:$0x1E100] =	vst v63  }
0x1bb: {  	s9 =	sadd.s32 $0x50, s14;
	s10 =	simm.s32 $0x1B500  }
0x1bc: {  	[tilespmem:s10], [sflag:$0x2] =	stream.strided.gather [hbm4b:s9+s0], $0x400, s4, s0, $0x38;
	[tilespmem:$0x1E100] =	vst v63  }
0x1bd: {  	s9 =	sadd.s32 $0x60, s14;
	s10 =	simm.s32 $0x1B900  }
0x1be: {  	[tilespmem:s10], [sflag:$0x2] =	stream.strided.gather [hbm4b:s9+s0], $0x400, s4, s0, $0x38;
	[tilespmem:$0x1E100] =	vst v63  }
0x1bf: {  	s9 =	sadd.s32 $0x70, s14;
	s10 =	simm.s32 $0x1BD00  }
0x1c0: {  	[tilespmem:s10], [sflag:$0x2] =	stream.strided.gather [hbm4b:s9+s0], $0x400, s4, s0, $0x38;
	[tilespmem:$0x1E100] =	vst v63  }
0x1c1: {  	s10 =	simm.s32 $0x10100  }
0x1c2: {  	[hbm4b:s15+s25] =	stream.strided.scatter [tilespmem:s10], [sflag:$0x6], $0x400, s26, s25, $0x38;
	[tilespmem:$0x1E100] =	vst v63  }
0x1c3: {  	s9 =	simm.s32 $0x10500;
	s10 =	sadd.s32 $0x40, s15  }
0x1c4: {  	[hbm4b:s10+s25] =	stream.strided.scatter [tilespmem:s9], [sflag:$0x6], $0x400, s26, s25, $0x38;
	[tilespmem:$0x1E100] =	vst v63  }
0x1c5: {  	s9 =	simm.s32 $0x10900;
	s10 =	sadd.s32 $0x80, s15  }
0x1c6: {  	[hbm4b:s10+s25] =	stream.strided.scatter [tilespmem:s9], [sflag:$0x6], $0x400, s26, s25, $0x38;
	[tilespmem:$0x1E100] =	vst v63  }
0x1c7: {  	s9 =	simm.s32 $0x10D00;
	s10 =	sadd.s32 $0xC0, s15  }
0x1c8: {  	[hbm4b:s10+s25] =	stream.strided.scatter [tilespmem:s9], [sflag:$0x6], $0x400, s26, s25, $0x38;
	[tilespmem:$0x1E100] =	vst v63  }
0x1c9: {  	s9 =	simm.s32 $0x11100;
	s10 =	sadd.s32 $0x100, s15  }
0x1ca: {  	[hbm4b:s10+s25] =	stream.strided.scatter [tilespmem:s9], [sflag:$0x6], $0x400, s26, s25, $0x38;
	[tilespmem:$0x1E100] =	vst v63  }
0x1cb: {  	s30 =	simm.s32 $0x10000;
	s9 =	simm.s32 $0x11500;
	s10 =	sadd.s32 $0x140, s15  }
0x1cc: {  	[hbm4b:s10+s25] =	stream.strided.scatter [tilespmem:s9], [sflag:$0x6], $0x400, s26, s25, $0x38;
	[tilespmem:$0x1E100] =	vst v63  }
0x1cd: {  	s29 =	simm.s32 $0x2000;
	s9 =	simm.s32 $0x11900;
	s10 =	sadd.s32 $0x180, s15  }
0x1ce: {  	[hbm4b:s10+s25] =	stream.strided.scatter [tilespmem:s9], [sflag:$0x6], $0x400, s26, s25, $0x38;
	[tilespmem:$0x1E100] =	vst v63  }
0x1cf: {  	s31 =	sadd.s32 $0x400, s15;
	s2 =	simm.s32 $0x11D00;
	s9 =	sadd.s32 $0x1C0, s15  }
.LBB2_6:
0x1d0: {  	[hbm4b:s9+s25] =	stream.strided.scatter [tilespmem:s2], [sflag:$0x6], $0x400, s26, s25, $0x38;
	[tilespmem:$0x1E100] =	vst v63  }
0x1d1: {  	s2 =	smov.u32 s29;
	s9 =	smov.u32 s30  }
0x1d2: {  	s10 =	sadd.s32 $0x8000, s30;
	s29 =	sshra.s32 s9, $0x2;
	s9 =	sadd.s32 $0x10100, s2  }
0x1d3: {  	[hbm4b:s31+s25] =	stream.strided.scatter [tilespmem:s9], [sflag:$0x6], $0x400, s26, s25, $0x38;
	[tilespmem:$0x1E100] =	vst v63  }
0x1d4: {  	p0 =	sne.s32 s30, $0x18000;
	s30 =	sadd.s32 $0x40, s31;
	s9 =	sadd.s32 $0x10500, s2  }
0x1d5: {  	[hbm4b:s30+s25] =	stream.strided.scatter [tilespmem:s9], [sflag:$0x6], $0x400, s26, s25, $0x38;
	[tilespmem:$0x1E100] =	vst v63  }
0x1d6: {  	s9 =	sadd.s32 $0x10900, s2;
	s30 =	sadd.s32 $0x80, s31  }
0x1d7: {  	[hbm4b:s30+s25] =	stream.strided.scatter [tilespmem:s9], [sflag:$0x6], $0x400, s26, s25, $0x38;
	[tilespmem:$0x1E100] =	vst v63  }
0x1d8: {  	s9 =	sadd.s32 $0x10D00, s2;
	s30 =	sadd.s32 $0xC0, s31  }
0x1d9: {  	[hbm4b:s30+s25] =	stream.strided.scatter [tilespmem:s9], [sflag:$0x6], $0x400, s26, s25, $0x38;
	[tilespmem:$0x1E100] =	vst v63  }
0x1da: {  	s9 =	sadd.s32 $0x11100, s2;
	s30 =	sadd.s32 $0x100, s31  }
0x1db: {  	[hbm4b:s30+s25] =	stream.strided.scatter [tilespmem:s9], [sflag:$0x6], $0x400, s26, s25, $0x38;
	[tilespmem:$0x1E100] =	vst v63  }
.Ltmp2:
0x1dc: {  	s9 =	sadd.s32 $0x11500, s2;
	s30 =	sadd.s32 $0x140, s31;
	(pc) =	sbr.rel @p0 .LBB2_6-.Ltmp2, $4  }
0x1dd: {  	[hbm4b:s30+s25] =	stream.strided.scatter [tilespmem:s9], [sflag:$0x6], $0x400, s26, s25, $0x38;
	[tilespmem:$0x1E100] =	vst v63  }
0x1de: {  	s9 =	sadd.s32 $0x11900, s2;
	s30 =	sadd.s32 $0x180, s31;
	s2 =	sadd.s32 $0x11D00, s2  }
0x1df: {  	[hbm4b:s30+s25] =	stream.strided.scatter [tilespmem:s9], [sflag:$0x6], $0x400, s26, s25, $0x38;
	[tilespmem:$0x1E100] =	vst v63  }
0x1e0: {  	s9 =	sadd.s32 $0x1C0, s31;
	s31 =	sadd.s32 $0x400, s31;
	s30 =	smov.u32 s10  }
0x1e1: {  	[hbm4b:s9+s25] =	stream.strided.scatter [tilespmem:s2], [sflag:$0x6], $0x400, s26, s25, $0x38;
	[tilespmem:$0x1E100] =	vst v63  }
0x1e2: {  	s10 =	sadd.s32 $0x10100, s29  }
0x1e3: {  	[hbm4b:s31+s25] =	stream.strided.scatter [tilespmem:s10], [sflag:$0x6], $0x400, s26, s25, $0x38;
	[tilespmem:$0x1E100] =	vst v63  }
0x1e4: {  	s9 =	sadd.s32 $0x10500, s29;
	s10 =	sadd.s32 $0x40, s31  }
0x1e5: {  	[hbm4b:s10+s25] =	stream.strided.scatter [tilespmem:s9], [sflag:$0x6], $0x400, s26, s25, $0x38;
	[tilespmem:$0x1E100] =	vst v63  }
0x1e6: {  	s9 =	sadd.s32 $0x10900, s29;
	s10 =	sadd.s32 $0x80, s31  }
0x1e7: {  	[hbm4b:s10+s25] =	stream.strided.scatter [tilespmem:s9], [sflag:$0x6], $0x400, s26, s25, $0x38;
	[tilespmem:$0x1E100] =	vst v63  }
0x1e8: {  	s9 =	sadd.s32 $0x10D00, s29;
	s10 =	sadd.s32 $0xC0, s31  }
0x1e9: {  	[hbm4b:s10+s25] =	stream.strided.scatter [tilespmem:s9], [sflag:$0x6], $0x400, s26, s25, $0x38;
	[tilespmem:$0x1E100] =	vst v63  }
0x1ea: {  	s9 =	sadd.s32 $0x11100, s29;
	s10 =	sadd.s32 $0x100, s31  }
0x1eb: {  	[hbm4b:s10+s25] =	stream.strided.scatter [tilespmem:s9], [sflag:$0x6], $0x400, s26, s25, $0x38;
	[tilespmem:$0x1E100] =	vst v63  }
0x1ec: {  	s9 =	sadd.s32 $0x11500, s29;
	s10 =	sadd.s32 $0x140, s31  }
0x1ed: {  	[hbm4b:s10+s25] =	stream.strided.scatter [tilespmem:s9], [sflag:$0x6], $0x400, s26, s25, $0x38;
	[tilespmem:$0x1E100] =	vst v63  }
0x1ee: {  	s9 =	sadd.s32 $0x11900, s29;
	s10 =	sadd.s32 $0x180, s31  }
0x1ef: {  	[hbm4b:s10+s25] =	stream.strided.scatter [tilespmem:s9], [sflag:$0x6], $0x400, s26, s25, $0x38;
	[tilespmem:$0x1E100] =	vst v63  }
0x1f0: {  	s9 =	sadd.s32 $0x11D00, s29;
	s10 =	sadd.s32 $0x1C0, s31  }
0x1f1: {  	[hbm4b:s10+s25] =	stream.strided.scatter [tilespmem:s9], [sflag:$0x6], $0x400, s26, s25, $0x38;
	[tilespmem:$0x1E100] =	vst v63  }
0x1f2: {  	_ =	swait.ge [sflag:s24], $0x8000  }
0x1f3: {  	[sflag:s24] =	ssyncset.done $0x0  }
0x1f4: {  	[sflag:s24] =	ssyncadd.s32 $0xFFFF8000  }
0x1f5: {  	_ =	swait.ge [sflag:s24], $0x2000  }
0x1f6: {  	[sflag:s24] =	ssyncset.done $0x0  }
0x1f7: {  	s9 =	simm.s32 $0x6;
	[sflag:s24] =	ssyncadd.s32 $0xFFFFE000  }
0x1f8: {  	_ =	swait.ge [sflag:s9], $0x8000  }
0x1f9: {  	[sflag:s9] =	ssyncset.done $0x0  }
0x1fa: {  	[sflag:s9] =	ssyncadd.s32 $0xFFFF8000  }
0x1fb: {  	v3 =	vld [tilespmem:$0xA0];
	_ =	sdelay $0x4  }
0x1fc: {  	v4 =	vshll.u32 v3, $0x3  }
0x1fd: {  	v3 =	vand.u32 $0x7, v3;
	v4 =	vand.u32 $0xFFFFFFC0, v4  }
0x1fe: {  	v3 =	vor.u32 v3, v4  }
0x1ff: {  	v4 =	vperm.xlane v3, v0;
	_ =	sdelay $0x1  }
0x200: {  	v4 =	vadd.s32 v1, v4;
	_ =	sdelay $0x3  }
0x201: {  	s2 =	simm.s32 $0x0;
	s10 =	simm.s32 $0x10100  }
0x202: {  	[tilespmem:s10], [sflag:$0x3] =	stream.indirect_vreg.gather [hbm4b:s1+s2], $0x80, v4, vm0, $0xb8;
	[tilespmem:$0x1E100] =	vst v63  }
0x203: {  	v3 =	vperm.xlane v3, v2;
	s10 =	simm.s32 $0x10900  }
0x204: {  	[tilespmem:s10], [sflag:$0x3] =	stream.indirect_vreg.gather [hbm4b:s5+s2], $0x80, v4, vm0, $0xb8;
	[tilespmem:$0x1E100] =	vst v63  }
0x205: {  	v3 =	vadd.s32 v1, v3;
	s10 =	simm.s32 $0x11100  }
0x206: {  	[tilespmem:s10], [sflag:$0x3] =	stream.indirect_vreg.gather [hbm4b:s6+s2], $0x80, v4, vm0, $0xb8;
	[tilespmem:$0x1E100] =	vst v63  }
0x207: {  	s10 =	simm.s32 $0x11900  }
0x208: {  	[tilespmem:s10], [sflag:$0x3] =	stream.indirect_vreg.gather [hbm4b:s8+s2], $0x80, v4, vm0, $0xb8;
	[tilespmem:$0x1E100] =	vst v63  }
0x209: {  	s10 =	simm.s32 $0x12100  }
0x20a: {  	[tilespmem:s10], [sflag:$0x3] =	stream.indirect_vreg.gather [hbm4b:s1+s2], $0x80, v3, vm0, $0xb8;
	[tilespmem:$0x1E100] =	vst v63  }
0x20b: {  	s10 =	simm.s32 $0x12900  }
0x20c: {  	[tilespmem:s10], [sflag:$0x3] =	stream.indirect_vreg.gather [hbm4b:s5+s2], $0x80, v3, vm0, $0xb8;
	[tilespmem:$0x1E100] =	vst v63  }
0x20d: {  	s10 =	simm.s32 $0x13100  }
0x20e: {  	[tilespmem:s10], [sflag:$0x3] =	stream.indirect_vreg.gather [hbm4b:s6+s2], $0x80, v3, vm0, $0xb8;
	[tilespmem:$0x1E100] =	vst v63  }
0x20f: {  	s10 =	simm.s32 $0x13900  }
0x210: {  	[tilespmem:s10], [sflag:$0x3] =	stream.indirect_vreg.gather [hbm4b:s8+s2], $0x80, v3, vm0, $0xb8;
	[tilespmem:$0x1E100] =	vst v63  }
0x211: {  	v3 =	vld [tilespmem:$0xB0];
	_ =	sdelay $0x4  }
0x212: {  	v63 =	vshll.u32 v3, $0x3  }
0x213: {  	v3 =	vand.u32 $0x7, v3;
	v4 =	vand.u32 $0xFFFFFFC0, v63  }
0x214: {  	v3 =	vor.u32 v3, v4  }
0x215: {  	v4 =	vperm.xlane v3, v0;
	_ =	sdelay $0x1  }
0x216: {  	v4 =	vadd.s32 v1, v4;
	_ =	sdelay $0x3  }
0x217: {  	s10 =	simm.s32 $0x14100  }
0x218: {  	[tilespmem:s10], [sflag:$0x3] =	stream.indirect_vreg.gather [hbm4b:s1+s2], $0x80, v4, vm0, $0xb8;
	[tilespmem:$0x1E100] =	vst v63  }
0x219: {  	v3 =	vperm.xlane v3, v2;
	s10 =	simm.s32 $0x14900  }
0x21a: {  	[tilespmem:s10], [sflag:$0x3] =	stream.indirect_vreg.gather [hbm4b:s5+s2], $0x80, v4, vm0, $0xb8;
	[tilespmem:$0x1E100] =	vst v63  }
0x21b: {  	v3 =	vadd.s32 v1, v3;
	s10 =	simm.s32 $0x15100  }
0x21c: {  	[tilespmem:s10], [sflag:$0x3] =	stream.indirect_vreg.gather [hbm4b:s6+s2], $0x80, v4, vm0, $0xb8;
	[tilespmem:$0x1E100] =	vst v63  }
0x21d: {  	s10 =	simm.s32 $0x15900  }
0x21e: {  	[tilespmem:s10], [sflag:$0x3] =	stream.indirect_vreg.gather [hbm4b:s8+s2], $0x80, v4, vm0, $0xb8;
	[tilespmem:$0x1E100] =	vst v63  }
0x21f: {  	s10 =	simm.s32 $0x16100  }
0x220: {  	[tilespmem:s10], [sflag:$0x3] =	stream.indirect_vreg.gather [hbm4b:s1+s2], $0x80, v3, vm0, $0xb8;
	[tilespmem:$0x1E100] =	vst v63  }
0x221: {  	s10 =	simm.s32 $0x16900  }
0x222: {  	[tilespmem:s10], [sflag:$0x3] =	stream.indirect_vreg.gather [hbm4b:s5+s2], $0x80, v3, vm0, $0xb8;
	[tilespmem:$0x1E100] =	vst v63  }
0x223: {  	s10 =	simm.s32 $0x17100  }
0x224: {  	[tilespmem:s10], [sflag:$0x3] =	stream.indirect_vreg.gather [hbm4b:s6+s2], $0x80, v3, vm0, $0xb8;
	[tilespmem:$0x1E100] =	vst v63  }
0x225: {  	s10 =	simm.s32 $0x17900  }
0x226: {  	[tilespmem:s10], [sflag:$0x3] =	stream.indirect_vreg.gather [hbm4b:s8+s2], $0x80, v3, vm0, $0xb8;
	[tilespmem:$0x1E100] =	vst v63  }
0x227: {  	s10 =	simm.s32 $0x1C100  }
0x228: {  	[tilespmem:s10], [sflag:$0x3] =	stream.strided.gather [hbm4b:s16+s0], $0x400, s4, s0, $0x38;
	[tilespmem:$0x1E100] =	vst v63  }
0x229: {  	s9 =	sadd.s32 $0x10, s16;
	s10 =	simm.s32 $0x1C500  }
0x22a: {  	[tilespmem:s10], [sflag:$0x3] =	stream.strided.gather [hbm4b:s9+s0], $0x400, s4, s0, $0x38;
	[tilespmem:$0x1E100] =	vst v63  }
0x22b: {  	s9 =	sadd.s32 $0x20, s16;
	s10 =	simm.s32 $0x1C900  }
0x22c: {  	[tilespmem:s10], [sflag:$0x3] =	stream.strided.gather [hbm4b:s9+s0], $0x400, s4, s0, $0x38;
	[tilespmem:$0x1E100] =	vst v63  }
0x22d: {  	s9 =	sadd.s32 $0x30, s16;
	s10 =	simm.s32 $0x1CD00  }
0x22e: {  	[tilespmem:s10], [sflag:$0x3] =	stream.strided.gather [hbm4b:s9+s0], $0x400, s4, s0, $0x38;
	[tilespmem:$0x1E100] =	vst v63  }
0x22f: {  	s9 =	sadd.s32 $0x40, s16;
	s10 =	simm.s32 $0x1D100  }
0x230: {  	[tilespmem:s10], [sflag:$0x3] =	stream.strided.gather [hbm4b:s9+s0], $0x400, s4, s0, $0x38;
	[tilespmem:$0x1E100] =	vst v63  }
0x231: {  	s9 =	sadd.s32 $0x50, s16;
	s10 =	simm.s32 $0x1D500  }
0x232: {  	[tilespmem:s10], [sflag:$0x3] =	stream.strided.gather [hbm4b:s9+s0], $0x400, s4, s0, $0x38;
	[tilespmem:$0x1E100] =	vst v63  }
0x233: {  	s9 =	sadd.s32 $0x60, s16;
	s10 =	simm.s32 $0x1D900  }
0x234: {  	[tilespmem:s10], [sflag:$0x3] =	stream.strided.gather [hbm4b:s9+s0], $0x400, s4, s0, $0x38;
	[tilespmem:$0x1E100] =	vst v63  }
0x235: {  	s9 =	sadd.s32 $0x70, s16;
	s10 =	simm.s32 $0x1DD00  }
0x236: {  	[tilespmem:s10], [sflag:$0x3] =	stream.strided.gather [hbm4b:s9+s0], $0x400, s4, s0, $0x38;
	[tilespmem:$0x1E100] =	vst v63  }
0x237: {  	s10 =	simm.s32 $0x100  }
0x238: {  	[hbm4b:s17+s25] =	stream.strided.scatter [tilespmem:s10], [sflag:$0x4], $0x400, s26, s25, $0x38;
	[tilespmem:$0x1E100] =	vst v63  }
0x239: {  	s9 =	simm.s32 $0x500;
	s10 =	sadd.s32 $0x40, s17  }
0x23a: {  	[hbm4b:s10+s25] =	stream.strided.scatter [tilespmem:s9], [sflag:$0x4], $0x400, s26, s25, $0x38;
	[tilespmem:$0x1E100] =	vst v63  }
0x23b: {  	s9 =	simm.s32 $0x900;
	s10 =	sadd.s32 $0x80, s17  }
0x23c: {  	[hbm4b:s10+s25] =	stream.strided.scatter [tilespmem:s9], [sflag:$0x4], $0x400, s26, s25, $0x38;
	[tilespmem:$0x1E100] =	vst v63  }
0x23d: {  	s9 =	simm.s32 $0xD00;
	s10 =	sadd.s32 $0xC0, s17  }
0x23e: {  	[hbm4b:s10+s25] =	stream.strided.scatter [tilespmem:s9], [sflag:$0x4], $0x400, s26, s25, $0x38;
	[tilespmem:$0x1E100] =	vst v63  }
0x23f: {  	s9 =	simm.s32 $0x1100;
	s10 =	sadd.s32 $0x100, s17  }
0x240: {  	[hbm4b:s10+s25] =	stream.strided.scatter [tilespmem:s9], [sflag:$0x4], $0x400, s26, s25, $0x38;
	[tilespmem:$0x1E100] =	vst v63  }
0x241: {  	s30 =	simm.s32 $0x10000;
	s9 =	simm.s32 $0x1500;
	s10 =	sadd.s32 $0x140, s17  }
0x242: {  	[hbm4b:s10+s25] =	stream.strided.scatter [tilespmem:s9], [sflag:$0x4], $0x400, s26, s25, $0x38;
	[tilespmem:$0x1E100] =	vst v63  }
0x243: {  	s29 =	simm.s32 $0x2000;
	s9 =	simm.s32 $0x1900;
	s10 =	sadd.s32 $0x180, s17  }
0x244: {  	[hbm4b:s10+s25] =	stream.strided.scatter [tilespmem:s9], [sflag:$0x4], $0x400, s26, s25, $0x38;
	[tilespmem:$0x1E100] =	vst v63  }
0x245: {  	s31 =	sadd.s32 $0x400, s17;
	s2 =	simm.s32 $0x1D00;
	s9 =	sadd.s32 $0x1C0, s17  }
.LBB2_8:
0x246: {  	[hbm4b:s9+s25] =	stream.strided.scatter [tilespmem:s2], [sflag:$0x4], $0x400, s26, s25, $0x38;
	[tilespmem:$0x1E100] =	vst v63  }
0x247: {  	s2 =	smov.u32 s29;
	s9 =	smov.u32 s30  }
0x248: {  	s10 =	sadd.s32 $0x8000, s30;
	s29 =	sshra.s32 s9, $0x2;
	s9 =	sadd.s32 $0x100, s2  }
0x249: {  	[hbm4b:s31+s25] =	stream.strided.scatter [tilespmem:s9], [sflag:$0x4], $0x400, s26, s25, $0x38;
	[tilespmem:$0x1E100] =	vst v63  }
0x24a: {  	p0 =	sne.s32 s30, $0x18000;
	s30 =	sadd.s32 $0x40, s31;
	s9 =	sadd.s32 $0x500, s2  }
0x24b: {  	[hbm4b:s30+s25] =	stream.strided.scatter [tilespmem:s9], [sflag:$0x4], $0x400, s26, s25, $0x38;
	[tilespmem:$0x1E100] =	vst v63  }
0x24c: {  	s9 =	sadd.s32 $0x900, s2;
	s30 =	sadd.s32 $0x80, s31  }
0x24d: {  	[hbm4b:s30+s25] =	stream.strided.scatter [tilespmem:s9], [sflag:$0x4], $0x400, s26, s25, $0x38;
	[tilespmem:$0x1E100] =	vst v63  }
0x24e: {  	s9 =	sadd.s32 $0xD00, s2;
	s30 =	sadd.s32 $0xC0, s31  }
0x24f: {  	[hbm4b:s30+s25] =	stream.strided.scatter [tilespmem:s9], [sflag:$0x4], $0x400, s26, s25, $0x38;
	[tilespmem:$0x1E100] =	vst v63  }
0x250: {  	s9 =	sadd.s32 $0x1100, s2;
	s30 =	sadd.s32 $0x100, s31  }
0x251: {  	[hbm4b:s30+s25] =	stream.strided.scatter [tilespmem:s9], [sflag:$0x4], $0x400, s26, s25, $0x38;
	[tilespmem:$0x1E100] =	vst v63  }
.Ltmp3:
0x252: {  	s9 =	sadd.s32 $0x1500, s2;
	s30 =	sadd.s32 $0x140, s31;
	(pc) =	sbr.rel @p0 .LBB2_8-.Ltmp3, $4  }
0x253: {  	[hbm4b:s30+s25] =	stream.strided.scatter [tilespmem:s9], [sflag:$0x4], $0x400, s26, s25, $0x38;
	[tilespmem:$0x1E100] =	vst v63  }
0x254: {  	s9 =	sadd.s32 $0x1900, s2;
	s30 =	sadd.s32 $0x180, s31;
	s2 =	sadd.s32 $0x1D00, s2  }
0x255: {  	[hbm4b:s30+s25] =	stream.strided.scatter [tilespmem:s9], [sflag:$0x4], $0x400, s26, s25, $0x38;
	[tilespmem:$0x1E100] =	vst v63  }
0x256: {  	s9 =	sadd.s32 $0x1C0, s31;
	s31 =	sadd.s32 $0x400, s31;
	s30 =	smov.u32 s10  }
0x257: {  	[hbm4b:s9+s25] =	stream.strided.scatter [tilespmem:s2], [sflag:$0x4], $0x400, s26, s25, $0x38;
	[tilespmem:$0x1E100] =	vst v63  }
0x258: {  	s10 =	sadd.s32 $0x100, s29  }
0x259: {  	[hbm4b:s31+s25] =	stream.strided.scatter [tilespmem:s10], [sflag:$0x4], $0x400, s26, s25, $0x38;
	[tilespmem:$0x1E100] =	vst v63  }
0x25a: {  	s9 =	sadd.s32 $0x500, s29;
	s10 =	sadd.s32 $0x40, s31  }
0x25b: {  	[hbm4b:s10+s25] =	stream.strided.scatter [tilespmem:s9], [sflag:$0x4], $0x400, s26, s25, $0x38;
	[tilespmem:$0x1E100] =	vst v63  }
0x25c: {  	s9 =	sadd.s32 $0x900, s29;
	s10 =	sadd.s32 $0x80, s31  }
0x25d: {  	[hbm4b:s10+s25] =	stream.strided.scatter [tilespmem:s9], [sflag:$0x4], $0x400, s26, s25, $0x38;
	[tilespmem:$0x1E100] =	vst v63  }
0x25e: {  	s9 =	sadd.s32 $0xD00, s29;
	s10 =	sadd.s32 $0xC0, s31  }
0x25f: {  	[hbm4b:s10+s25] =	stream.strided.scatter [tilespmem:s9], [sflag:$0x4], $0x400, s26, s25, $0x38;
	[tilespmem:$0x1E100] =	vst v63  }
0x260: {  	s9 =	sadd.s32 $0x1100, s29;
	s10 =	sadd.s32 $0x100, s31  }
0x261: {  	[hbm4b:s10+s25] =	stream.strided.scatter [tilespmem:s9], [sflag:$0x4], $0x400, s26, s25, $0x38;
	[tilespmem:$0x1E100] =	vst v63  }
0x262: {  	s9 =	sadd.s32 $0x1500, s29;
	s10 =	sadd.s32 $0x140, s31  }
0x263: {  	[hbm4b:s10+s25] =	stream.strided.scatter [tilespmem:s9], [sflag:$0x4], $0x400, s26, s25, $0x38;
	[tilespmem:$0x1E100] =	vst v63  }
0x264: {  	s9 =	sadd.s32 $0x1900, s29;
	s10 =	sadd.s32 $0x180, s31  }
0x265: {  	[hbm4b:s10+s25] =	stream.strided.scatter [tilespmem:s9], [sflag:$0x4], $0x400, s26, s25, $0x38;
	[tilespmem:$0x1E100] =	vst v63  }
0x266: {  	s9 =	sadd.s32 $0x1D00, s29;
	s10 =	sadd.s32 $0x1C0, s31  }
0x267: {  	[hbm4b:s10+s25] =	stream.strided.scatter [tilespmem:s9], [sflag:$0x4], $0x400, s26, s25, $0x38;
	[tilespmem:$0x1E100] =	vst v63  }
0x268: {  	_ =	swait.ge [sflag:s28], $0x8000  }
0x269: {  	[sflag:s28] =	ssyncset.done $0x0  }
0x26a: {  	[sflag:s28] =	ssyncadd.s32 $0xFFFF8000  }
0x26b: {  	_ =	swait.ge [sflag:s28], $0x2000  }
0x26c: {  	[sflag:s28] =	ssyncset.done $0x0  }
0x26d: {  	s9 =	simm.s32 $0x4;
	[sflag:s28] =	ssyncadd.s32 $0xFFFFE000  }
0x26e: {  	_ =	swait.ge [sflag:s9], $0x8000  }
0x26f: {  	[sflag:s9] =	ssyncset.done $0x0  }
0x270: {  	[sflag:s9] =	ssyncadd.s32 $0xFFFF8000  }
0x271: {  	v3 =	vld [tilespmem:$0xC0];
	_ =	sdelay $0x4  }
0x272: {  	v4 =	vshll.u32 v3, $0x3  }
0x273: {  	v3 =	vand.u32 $0x7, v3;
	v4 =	vand.u32 $0xFFFFFFC0, v4  }
0x274: {  	v3 =	vor.u32 v3, v4  }
0x275: {  	v4 =	vperm.xlane v3, v0;
	_ =	sdelay $0x1  }
0x276: {  	v4 =	vadd.s32 v1, v4;
	_ =	sdelay $0x3  }
0x277: {  	s2 =	simm.s32 $0x0;
	s10 =	simm.s32 $0x100  }
0x278: {  	[tilespmem:s10], [sflag:$0x1] =	stream.indirect_vreg.gather [hbm4b:s1+s2], $0x80, v4, vm0, $0xb8;
	[tilespmem:$0x1E100] =	vst v63  }
0x279: {  	v3 =	vperm.xlane v3, v2;
	s10 =	simm.s32 $0x900  }
0x27a: {  	[tilespmem:s10], [sflag:$0x1] =	stream.indirect_vreg.gather [hbm4b:s5+s2], $0x80, v4, vm0, $0xb8;
	[tilespmem:$0x1E100] =	vst v63  }
0x27b: {  	v3 =	vadd.s32 v1, v3;
	s10 =	simm.s32 $0x1100  }
0x27c: {  	[tilespmem:s10], [sflag:$0x1] =	stream.indirect_vreg.gather [hbm4b:s6+s2], $0x80, v4, vm0, $0xb8;
	[tilespmem:$0x1E100] =	vst v63  }
0x27d: {  	s10 =	simm.s32 $0x1900  }
0x27e: {  	[tilespmem:s10], [sflag:$0x1] =	stream.indirect_vreg.gather [hbm4b:s8+s2], $0x80, v4, vm0, $0xb8;
	[tilespmem:$0x1E100] =	vst v63  }
0x27f: {  	s10 =	simm.s32 $0x2100  }
0x280: {  	[tilespmem:s10], [sflag:$0x1] =	stream.indirect_vreg.gather [hbm4b:s1+s2], $0x80, v3, vm0, $0xb8;
	[tilespmem:$0x1E100] =	vst v63  }
0x281: {  	s10 =	simm.s32 $0x2900  }
0x282: {  	[tilespmem:s10], [sflag:$0x1] =	stream.indirect_vreg.gather [hbm4b:s5+s2], $0x80, v3, vm0, $0xb8;
	[tilespmem:$0x1E100] =	vst v63  }
0x283: {  	s10 =	simm.s32 $0x3100  }
0x284: {  	[tilespmem:s10], [sflag:$0x1] =	stream.indirect_vreg.gather [hbm4b:s6+s2], $0x80, v3, vm0, $0xb8;
	[tilespmem:$0x1E100] =	vst v63  }
0x285: {  	s10 =	simm.s32 $0x3900  }
0x286: {  	[tilespmem:s10], [sflag:$0x1] =	stream.indirect_vreg.gather [hbm4b:s8+s2], $0x80, v3, vm0, $0xb8;
	[tilespmem:$0x1E100] =	vst v63  }
0x287: {  	v3 =	vld [tilespmem:$0xD0];
	_ =	sdelay $0x4  }
0x288: {  	v63 =	vshll.u32 v3, $0x3  }
0x289: {  	v3 =	vand.u32 $0x7, v3;
	v4 =	vand.u32 $0xFFFFFFC0, v63  }
0x28a: {  	v3 =	vor.u32 v3, v4  }
0x28b: {  	v4 =	vperm.xlane v3, v0;
	_ =	sdelay $0x1  }
0x28c: {  	v4 =	vadd.s32 v1, v4;
	_ =	sdelay $0x3  }
0x28d: {  	s10 =	simm.s32 $0x4100  }
0x28e: {  	[tilespmem:s10], [sflag:$0x1] =	stream.indirect_vreg.gather [hbm4b:s1+s2], $0x80, v4, vm0, $0xb8;
	[tilespmem:$0x1E100] =	vst v63  }
0x28f: {  	v3 =	vperm.xlane v3, v2;
	s10 =	simm.s32 $0x4900  }
0x290: {  	[tilespmem:s10], [sflag:$0x1] =	stream.indirect_vreg.gather [hbm4b:s5+s2], $0x80, v4, vm0, $0xb8;
	[tilespmem:$0x1E100] =	vst v63  }
0x291: {  	v3 =	vadd.s32 v1, v3;
	s10 =	simm.s32 $0x5100  }
0x292: {  	[tilespmem:s10], [sflag:$0x1] =	stream.indirect_vreg.gather [hbm4b:s6+s2], $0x80, v4, vm0, $0xb8;
	[tilespmem:$0x1E100] =	vst v63  }
0x293: {  	s10 =	simm.s32 $0x5900  }
0x294: {  	[tilespmem:s10], [sflag:$0x1] =	stream.indirect_vreg.gather [hbm4b:s8+s2], $0x80, v4, vm0, $0xb8;
	[tilespmem:$0x1E100] =	vst v63  }
0x295: {  	s10 =	simm.s32 $0x6100  }
0x296: {  	[tilespmem:s10], [sflag:$0x1] =	stream.indirect_vreg.gather [hbm4b:s1+s2], $0x80, v3, vm0, $0xb8;
	[tilespmem:$0x1E100] =	vst v63  }
0x297: {  	s10 =	simm.s32 $0x6900  }
0x298: {  	[tilespmem:s10], [sflag:$0x1] =	stream.indirect_vreg.gather [hbm4b:s5+s2], $0x80, v3, vm0, $0xb8;
	[tilespmem:$0x1E100] =	vst v63  }
0x299: {  	s10 =	simm.s32 $0x7100  }
0x29a: {  	[tilespmem:s10], [sflag:$0x1] =	stream.indirect_vreg.gather [hbm4b:s6+s2], $0x80, v3, vm0, $0xb8;
	[tilespmem:$0x1E100] =	vst v63  }
0x29b: {  	s10 =	simm.s32 $0x7900  }
0x29c: {  	[tilespmem:s10], [sflag:$0x1] =	stream.indirect_vreg.gather [hbm4b:s8+s2], $0x80, v3, vm0, $0xb8;
	[tilespmem:$0x1E100] =	vst v63  }
0x29d: {  	s10 =	simm.s32 $0x18100  }
0x29e: {  	[tilespmem:s10], [sflag:$0x1] =	stream.strided.gather [hbm4b:s18+s0], $0x400, s4, s0, $0x38;
	[tilespmem:$0x1E100] =	vst v63  }
0x29f: {  	s9 =	sadd.s32 $0x10, s18;
	s10 =	simm.s32 $0x18500  }
0x2a0: {  	[tilespmem:s10], [sflag:$0x1] =	stream.strided.gather [hbm4b:s9+s0], $0x400, s4, s0, $0x38;
	[tilespmem:$0x1E100] =	vst v63  }
0x2a1: {  	s9 =	sadd.s32 $0x20, s18;
	s10 =	simm.s32 $0x18900  }
0x2a2: {  	[tilespmem:s10], [sflag:$0x1] =	stream.strided.gather [hbm4b:s9+s0], $0x400, s4, s0, $0x38;
	[tilespmem:$0x1E100] =	vst v63  }
0x2a3: {  	s9 =	sadd.s32 $0x30, s18;
	s10 =	simm.s32 $0x18D00  }
0x2a4: {  	[tilespmem:s10], [sflag:$0x1] =	stream.strided.gather [hbm4b:s9+s0], $0x400, s4, s0, $0x38;
	[tilespmem:$0x1E100] =	vst v63  }
0x2a5: {  	s9 =	sadd.s32 $0x40, s18;
	s10 =	simm.s32 $0x19100  }
0x2a6: {  	[tilespmem:s10], [sflag:$0x1] =	stream.strided.gather [hbm4b:s9+s0], $0x400, s4, s0, $0x38;
	[tilespmem:$0x1E100] =	vst v63  }
0x2a7: {  	s9 =	sadd.s32 $0x50, s18;
	s10 =	simm.s32 $0x19500  }
0x2a8: {  	[tilespmem:s10], [sflag:$0x1] =	stream.strided.gather [hbm4b:s9+s0], $0x400, s4, s0, $0x38;
	[tilespmem:$0x1E100] =	vst v63  }
0x2a9: {  	s9 =	sadd.s32 $0x60, s18;
	s10 =	simm.s32 $0x19900  }
0x2aa: {  	[tilespmem:s10], [sflag:$0x1] =	stream.strided.gather [hbm4b:s9+s0], $0x400, s4, s0, $0x38;
	[tilespmem:$0x1E100] =	vst v63  }
0x2ab: {  	s9 =	sadd.s32 $0x70, s18;
	s10 =	simm.s32 $0x19D00  }
0x2ac: {  	[tilespmem:s10], [sflag:$0x1] =	stream.strided.gather [hbm4b:s9+s0], $0x400, s4, s0, $0x38;
	[tilespmem:$0x1E100] =	vst v63  }
0x2ad: {  	s10 =	simm.s32 $0x8100  }
0x2ae: {  	[hbm4b:s19+s25] =	stream.strided.scatter [tilespmem:s10], [sflag:$0x5], $0x400, s26, s25, $0x38;
	[tilespmem:$0x1E100] =	vst v63  }
0x2af: {  	s9 =	simm.s32 $0x8500;
	s10 =	sadd.s32 $0x40, s19  }
0x2b0: {  	[hbm4b:s10+s25] =	stream.strided.scatter [tilespmem:s9], [sflag:$0x5], $0x400, s26, s25, $0x38;
	[tilespmem:$0x1E100] =	vst v63  }
0x2b1: {  	s9 =	simm.s32 $0x8900;
	s10 =	sadd.s32 $0x80, s19  }
0x2b2: {  	[hbm4b:s10+s25] =	stream.strided.scatter [tilespmem:s9], [sflag:$0x5], $0x400, s26, s25, $0x38;
	[tilespmem:$0x1E100] =	vst v63  }
0x2b3: {  	s9 =	simm.s32 $0x8D00;
	s10 =	sadd.s32 $0xC0, s19  }
0x2b4: {  	[hbm4b:s10+s25] =	stream.strided.scatter [tilespmem:s9], [sflag:$0x5], $0x400, s26, s25, $0x38;
	[tilespmem:$0x1E100] =	vst v63  }
0x2b5: {  	s9 =	simm.s32 $0x9100;
	s10 =	sadd.s32 $0x100, s19  }
0x2b6: {  	[hbm4b:s10+s25] =	stream.strided.scatter [tilespmem:s9], [sflag:$0x5], $0x400, s26, s25, $0x38;
	[tilespmem:$0x1E100] =	vst v63  }
0x2b7: {  	s30 =	simm.s32 $0x10000;
	s9 =	simm.s32 $0x9500;
	s10 =	sadd.s32 $0x140, s19  }
0x2b8: {  	[hbm4b:s10+s25] =	stream.strided.scatter [tilespmem:s9], [sflag:$0x5], $0x400, s26, s25, $0x38;
	[tilespmem:$0x1E100] =	vst v63  }
0x2b9: {  	s29 =	simm.s32 $0x2000;
	s9 =	simm.s32 $0x9900;
	s10 =	sadd.s32 $0x180, s19  }
0x2ba: {  	[hbm4b:s10+s25] =	stream.strided.scatter [tilespmem:s9], [sflag:$0x5], $0x400, s26, s25, $0x38;
	[tilespmem:$0x1E100] =	vst v63  }
0x2bb: {  	s31 =	sadd.s32 $0x400, s19;
	s2 =	simm.s32 $0x9D00;
	s9 =	sadd.s32 $0x1C0, s19  }
.LBB2_10:
0x2bc: {  	[hbm4b:s9+s25] =	stream.strided.scatter [tilespmem:s2], [sflag:$0x5], $0x400, s26, s25, $0x38;
	[tilespmem:$0x1E100] =	vst v63  }
0x2bd: {  	s2 =	smov.u32 s29;
	s9 =	smov.u32 s30  }
0x2be: {  	s10 =	sadd.s32 $0x8000, s30;
	s29 =	sshra.s32 s9, $0x2;
	s9 =	sadd.s32 $0x8100, s2  }
0x2bf: {  	[hbm4b:s31+s25] =	stream.strided.scatter [tilespmem:s9], [sflag:$0x5], $0x400, s26, s25, $0x38;
	[tilespmem:$0x1E100] =	vst v63  }
0x2c0: {  	p0 =	sne.s32 s30, $0x18000;
	s30 =	sadd.s32 $0x40, s31;
	s9 =	sadd.s32 $0x8500, s2  }
0x2c1: {  	[hbm4b:s30+s25] =	stream.strided.scatter [tilespmem:s9], [sflag:$0x5], $0x400, s26, s25, $0x38;
	[tilespmem:$0x1E100] =	vst v63  }
0x2c2: {  	s9 =	sadd.s32 $0x8900, s2;
	s30 =	sadd.s32 $0x80, s31  }
0x2c3: {  	[hbm4b:s30+s25] =	stream.strided.scatter [tilespmem:s9], [sflag:$0x5], $0x400, s26, s25, $0x38;
	[tilespmem:$0x1E100] =	vst v63  }
0x2c4: {  	s9 =	sadd.s32 $0x8D00, s2;
	s30 =	sadd.s32 $0xC0, s31  }
0x2c5: {  	[hbm4b:s30+s25] =	stream.strided.scatter [tilespmem:s9], [sflag:$0x5], $0x400, s26, s25, $0x38;
	[tilespmem:$0x1E100] =	vst v63  }
0x2c6: {  	s9 =	sadd.s32 $0x9100, s2;
	s30 =	sadd.s32 $0x100, s31  }
0x2c7: {  	[hbm4b:s30+s25] =	stream.strided.scatter [tilespmem:s9], [sflag:$0x5], $0x400, s26, s25, $0x38;
	[tilespmem:$0x1E100] =	vst v63  }
.Ltmp4:
0x2c8: {  	s9 =	sadd.s32 $0x9500, s2;
	s30 =	sadd.s32 $0x140, s31;
	(pc) =	sbr.rel @p0 .LBB2_10-.Ltmp4, $4  }
0x2c9: {  	[hbm4b:s30+s25] =	stream.strided.scatter [tilespmem:s9], [sflag:$0x5], $0x400, s26, s25, $0x38;
	[tilespmem:$0x1E100] =	vst v63  }
0x2ca: {  	s9 =	sadd.s32 $0x9900, s2;
	s30 =	sadd.s32 $0x180, s31;
	s2 =	sadd.s32 $0x9D00, s2  }
0x2cb: {  	[hbm4b:s30+s25] =	stream.strided.scatter [tilespmem:s9], [sflag:$0x5], $0x400, s26, s25, $0x38;
	[tilespmem:$0x1E100] =	vst v63  }
0x2cc: {  	s9 =	sadd.s32 $0x1C0, s31;
	s31 =	sadd.s32 $0x400, s31;
	s30 =	smov.u32 s10  }
0x2cd: {  	[hbm4b:s9+s25] =	stream.strided.scatter [tilespmem:s2], [sflag:$0x5], $0x400, s26, s25, $0x38;
	[tilespmem:$0x1E100] =	vst v63  }
0x2ce: {  	s10 =	sadd.s32 $0x8100, s29  }
0x2cf: {  	[hbm4b:s31+s25] =	stream.strided.scatter [tilespmem:s10], [sflag:$0x5], $0x400, s26, s25, $0x38;
	[tilespmem:$0x1E100] =	vst v63  }
0x2d0: {  	s9 =	sadd.s32 $0x8500, s29;
	s10 =	sadd.s32 $0x40, s31  }
0x2d1: {  	[hbm4b:s10+s25] =	stream.strided.scatter [tilespmem:s9], [sflag:$0x5], $0x400, s26, s25, $0x38;
	[tilespmem:$0x1E100] =	vst v63  }
0x2d2: {  	s9 =	sadd.s32 $0x8900, s29;
	s10 =	sadd.s32 $0x80, s31  }
0x2d3: {  	[hbm4b:s10+s25] =	stream.strided.scatter [tilespmem:s9], [sflag:$0x5], $0x400, s26, s25, $0x38;
	[tilespmem:$0x1E100] =	vst v63  }
0x2d4: {  	s9 =	sadd.s32 $0x8D00, s29;
	s10 =	sadd.s32 $0xC0, s31  }
0x2d5: {  	[hbm4b:s10+s25] =	stream.strided.scatter [tilespmem:s9], [sflag:$0x5], $0x400, s26, s25, $0x38;
	[tilespmem:$0x1E100] =	vst v63  }
0x2d6: {  	s9 =	sadd.s32 $0x9100, s29;
	s10 =	sadd.s32 $0x100, s31  }
0x2d7: {  	[hbm4b:s10+s25] =	stream.strided.scatter [tilespmem:s9], [sflag:$0x5], $0x400, s26, s25, $0x38;
	[tilespmem:$0x1E100] =	vst v63  }
0x2d8: {  	s9 =	sadd.s32 $0x9500, s29;
	s10 =	sadd.s32 $0x140, s31  }
0x2d9: {  	[hbm4b:s10+s25] =	stream.strided.scatter [tilespmem:s9], [sflag:$0x5], $0x400, s26, s25, $0x38;
	[tilespmem:$0x1E100] =	vst v63  }
0x2da: {  	s9 =	sadd.s32 $0x9900, s29;
	s10 =	sadd.s32 $0x180, s31  }
0x2db: {  	[hbm4b:s10+s25] =	stream.strided.scatter [tilespmem:s9], [sflag:$0x5], $0x400, s26, s25, $0x38;
	[tilespmem:$0x1E100] =	vst v63  }
0x2dc: {  	s9 =	sadd.s32 $0x9D00, s29;
	s10 =	sadd.s32 $0x1C0, s31  }
0x2dd: {  	[hbm4b:s10+s25] =	stream.strided.scatter [tilespmem:s9], [sflag:$0x5], $0x400, s26, s25, $0x38;
	[tilespmem:$0x1E100] =	vst v63  }
0x2de: {  	s10 =	simm.s32 $0x3  }
0x2df: {  	_ =	swait.ge [sflag:s10], $0x8000  }
0x2e0: {  	[sflag:s10] =	ssyncset.done $0x0  }
0x2e1: {  	[sflag:s10] =	ssyncadd.s32 $0xFFFF8000  }
0x2e2: {  	_ =	swait.ge [sflag:s10], $0x2000  }
0x2e3: {  	[sflag:s10] =	ssyncset.done $0x0  }
0x2e4: {  	s9 =	simm.s32 $0x5;
	[sflag:s10] =	ssyncadd.s32 $0xFFFFE000  }
0x2e5: {  	_ =	swait.ge [sflag:s9], $0x8000  }
0x2e6: {  	[sflag:s9] =	ssyncset.done $0x0  }
0x2e7: {  	[sflag:s9] =	ssyncadd.s32 $0xFFFF8000  }
0x2e8: {  	v3 =	vld [tilespmem:$0xE0];
	_ =	sdelay $0x4  }
0x2e9: {  	v4 =	vshll.u32 v3, $0x3  }
0x2ea: {  	v3 =	vand.u32 $0x7, v3;
	v4 =	vand.u32 $0xFFFFFFC0, v4  }
0x2eb: {  	v3 =	vor.u32 v3, v4  }
0x2ec: {  	v4 =	vperm.xlane v3, v0;
	_ =	sdelay $0x1  }
0x2ed: {  	v4 =	vadd.s32 v1, v4;
	_ =	sdelay $0x3  }
0x2ee: {  	s2 =	simm.s32 $0x0;
	s10 =	simm.s32 $0x8100  }
0x2ef: {  	[tilespmem:s10], [sflag:$0x2] =	stream.indirect_vreg.gather [hbm4b:s1+s2], $0x80, v4, vm0, $0xb8;
	[tilespmem:$0x1E100] =	vst v63  }
0x2f0: {  	v3 =	vperm.xlane v3, v2;
	s10 =	simm.s32 $0x8900  }
0x2f1: {  	[tilespmem:s10], [sflag:$0x2] =	stream.indirect_vreg.gather [hbm4b:s5+s2], $0x80, v4, vm0, $0xb8;
	[tilespmem:$0x1E100] =	vst v63  }
0x2f2: {  	v3 =	vadd.s32 v1, v3;
	s10 =	simm.s32 $0x9100  }
0x2f3: {  	[tilespmem:s10], [sflag:$0x2] =	stream.indirect_vreg.gather [hbm4b:s6+s2], $0x80, v4, vm0, $0xb8;
	[tilespmem:$0x1E100] =	vst v63  }
0x2f4: {  	s10 =	simm.s32 $0x9900  }
0x2f5: {  	[tilespmem:s10], [sflag:$0x2] =	stream.indirect_vreg.gather [hbm4b:s8+s2], $0x80, v4, vm0, $0xb8;
	[tilespmem:$0x1E100] =	vst v63  }
0x2f6: {  	s10 =	simm.s32 $0xA100  }
0x2f7: {  	[tilespmem:s10], [sflag:$0x2] =	stream.indirect_vreg.gather [hbm4b:s1+s2], $0x80, v3, vm0, $0xb8;
	[tilespmem:$0x1E100] =	vst v63  }
0x2f8: {  	s10 =	simm.s32 $0xA900  }
0x2f9: {  	[tilespmem:s10], [sflag:$0x2] =	stream.indirect_vreg.gather [hbm4b:s5+s2], $0x80, v3, vm0, $0xb8;
	[tilespmem:$0x1E100] =	vst v63  }
0x2fa: {  	s10 =	simm.s32 $0xB100  }
0x2fb: {  	[tilespmem:s10], [sflag:$0x2] =	stream.indirect_vreg.gather [hbm4b:s6+s2], $0x80, v3, vm0, $0xb8;
	[tilespmem:$0x1E100] =	vst v63  }
0x2fc: {  	s10 =	simm.s32 $0xB900  }
0x2fd: {  	[tilespmem:s10], [sflag:$0x2] =	stream.indirect_vreg.gather [hbm4b:s8+s2], $0x80, v3, vm0, $0xb8;
	[tilespmem:$0x1E100] =	vst v63  }
0x2fe: {  	v3 =	vld [tilespmem:$0xF0];
	_ =	sdelay $0x4  }
0x2ff: {  	v63 =	vshll.u32 v3, $0x3  }
0x300: {  	v3 =	vand.u32 $0x7, v3;
	v4 =	vand.u32 $0xFFFFFFC0, v63  }
0x301: {  	v3 =	vor.u32 v3, v4  }
0x302: {  	v4 =	vperm.xlane v3, v0;
	_ =	sdelay $0x1  }
0x303: {  	v4 =	vadd.s32 v1, v4;
	_ =	sdelay $0x3  }
0x304: {  	s10 =	simm.s32 $0xC100  }
0x305: {  	[tilespmem:s10], [sflag:$0x2] =	stream.indirect_vreg.gather [hbm4b:s1+s2], $0x80, v4, vm0, $0xb8;
	[tilespmem:$0x1E100] =	vst v63  }
0x306: {  	v3 =	vperm.xlane v3, v2;
	s10 =	simm.s32 $0xC900  }
0x307: {  	[tilespmem:s10], [sflag:$0x2] =	stream.indirect_vreg.gather [hbm4b:s5+s2], $0x80, v4, vm0, $0xb8;
	[tilespmem:$0x1E100] =	vst v63  }
0x308: {  	v3 =	vadd.s32 v1, v3;
	s10 =	simm.s32 $0xD100  }
0x309: {  	[tilespmem:s10], [sflag:$0x2] =	stream.indirect_vreg.gather [hbm4b:s6+s2], $0x80, v4, vm0, $0xb8;
	[tilespmem:$0x1E100] =	vst v63  }
0x30a: {  	s10 =	simm.s32 $0xD900  }
0x30b: {  	[tilespmem:s10], [sflag:$0x2] =	stream.indirect_vreg.gather [hbm4b:s8+s2], $0x80, v4, vm0, $0xb8;
	[tilespmem:$0x1E100] =	vst v63  }
0x30c: {  	s10 =	simm.s32 $0xE100  }
0x30d: {  	[tilespmem:s10], [sflag:$0x2] =	stream.indirect_vreg.gather [hbm4b:s1+s2], $0x80, v3, vm0, $0xb8;
	[tilespmem:$0x1E100] =	vst v63  }
0x30e: {  	s10 =	simm.s32 $0xE900  }
0x30f: {  	[tilespmem:s10], [sflag:$0x2] =	stream.indirect_vreg.gather [hbm4b:s5+s2], $0x80, v3, vm0, $0xb8;
	[tilespmem:$0x1E100] =	vst v63  }
0x310: {  	s10 =	simm.s32 $0xF100  }
0x311: {  	[tilespmem:s10], [sflag:$0x2] =	stream.indirect_vreg.gather [hbm4b:s6+s2], $0x80, v3, vm0, $0xb8;
	[tilespmem:$0x1E100] =	vst v63  }
0x312: {  	s10 =	simm.s32 $0xF900  }
0x313: {  	[tilespmem:s10], [sflag:$0x2] =	stream.indirect_vreg.gather [hbm4b:s8+s2], $0x80, v3, vm0, $0xb8;
	[tilespmem:$0x1E100] =	vst v63  }
0x314: {  	s10 =	simm.s32 $0x1A100  }
0x315: {  	[tilespmem:s10], [sflag:$0x2] =	stream.strided.gather [hbm4b:s20+s0], $0x400, s4, s0, $0x38;
	[tilespmem:$0x1E100] =	vst v63  }
0x316: {  	s9 =	sadd.s32 $0x10, s20;
	s10 =	simm.s32 $0x1A500  }
0x317: {  	[tilespmem:s10], [sflag:$0x2] =	stream.strided.gather [hbm4b:s9+s0], $0x400, s4, s0, $0x38;
	[tilespmem:$0x1E100] =	vst v63  }
0x318: {  	s9 =	sadd.s32 $0x20, s20;
	s10 =	simm.s32 $0x1A900  }
0x319: {  	[tilespmem:s10], [sflag:$0x2] =	stream.strided.gather [hbm4b:s9+s0], $0x400, s4, s0, $0x38;
	[tilespmem:$0x1E100] =	vst v63  }
0x31a: {  	s9 =	sadd.s32 $0x30, s20;
	s10 =	simm.s32 $0x1AD00  }
0x31b: {  	[tilespmem:s10], [sflag:$0x2] =	stream.strided.gather [hbm4b:s9+s0], $0x400, s4, s0, $0x38;
	[tilespmem:$0x1E100] =	vst v63  }
0x31c: {  	s9 =	sadd.s32 $0x40, s20;
	s10 =	simm.s32 $0x1B100  }
0x31d: {  	[tilespmem:s10], [sflag:$0x2] =	stream.strided.gather [hbm4b:s9+s0], $0x400, s4, s0, $0x38;
	[tilespmem:$0x1E100] =	vst v63  }
0x31e: {  	s9 =	sadd.s32 $0x50, s20;
	s10 =	simm.s32 $0x1B500  }
0x31f: {  	[tilespmem:s10], [sflag:$0x2] =	stream.strided.gather [hbm4b:s9+s0], $0x400, s4, s0, $0x38;
	[tilespmem:$0x1E100] =	vst v63  }
0x320: {  	s9 =	sadd.s32 $0x60, s20;
	s10 =	simm.s32 $0x1B900  }
0x321: {  	[tilespmem:s10], [sflag:$0x2] =	stream.strided.gather [hbm4b:s9+s0], $0x400, s4, s0, $0x38;
	[tilespmem:$0x1E100] =	vst v63  }
0x322: {  	s9 =	sadd.s32 $0x70, s20;
	s10 =	simm.s32 $0x1BD00  }
0x323: {  	[tilespmem:s10], [sflag:$0x2] =	stream.strided.gather [hbm4b:s9+s0], $0x400, s4, s0, $0x38;
	[tilespmem:$0x1E100] =	vst v63  }
0x324: {  	s10 =	simm.s32 $0x10100  }
0x325: {  	[hbm4b:s21+s25] =	stream.strided.scatter [tilespmem:s10], [sflag:$0x6], $0x400, s26, s25, $0x38;
	[tilespmem:$0x1E100] =	vst v63  }
0x326: {  	s9 =	simm.s32 $0x10500;
	s10 =	sadd.s32 $0x40, s21  }
0x327: {  	[hbm4b:s10+s25] =	stream.strided.scatter [tilespmem:s9], [sflag:$0x6], $0x400, s26, s25, $0x38;
	[tilespmem:$0x1E100] =	vst v63  }
0x328: {  	s9 =	simm.s32 $0x10900;
	s10 =	sadd.s32 $0x80, s21  }
0x329: {  	[hbm4b:s10+s25] =	stream.strided.scatter [tilespmem:s9], [sflag:$0x6], $0x400, s26, s25, $0x38;
	[tilespmem:$0x1E100] =	vst v63  }
0x32a: {  	s9 =	simm.s32 $0x10D00;
	s10 =	sadd.s32 $0xC0, s21  }
0x32b: {  	[hbm4b:s10+s25] =	stream.strided.scatter [tilespmem:s9], [sflag:$0x6], $0x400, s26, s25, $0x38;
	[tilespmem:$0x1E100] =	vst v63  }
0x32c: {  	s9 =	simm.s32 $0x11100;
	s10 =	sadd.s32 $0x100, s21  }
0x32d: {  	[hbm4b:s10+s25] =	stream.strided.scatter [tilespmem:s9], [sflag:$0x6], $0x400, s26, s25, $0x38;
	[tilespmem:$0x1E100] =	vst v63  }
0x32e: {  	s30 =	simm.s32 $0x10000;
	s9 =	simm.s32 $0x11500;
	s10 =	sadd.s32 $0x140, s21  }
0x32f: {  	[hbm4b:s10+s25] =	stream.strided.scatter [tilespmem:s9], [sflag:$0x6], $0x400, s26, s25, $0x38;
	[tilespmem:$0x1E100] =	vst v63  }
0x330: {  	s29 =	simm.s32 $0x2000;
	s9 =	simm.s32 $0x11900;
	s10 =	sadd.s32 $0x180, s21  }
0x331: {  	[hbm4b:s10+s25] =	stream.strided.scatter [tilespmem:s9], [sflag:$0x6], $0x400, s26, s25, $0x38;
	[tilespmem:$0x1E100] =	vst v63  }
0x332: {  	s31 =	sadd.s32 $0x400, s21;
	s2 =	simm.s32 $0x11D00;
	s9 =	sadd.s32 $0x1C0, s21  }
.LBB2_12:
0x333: {  	[hbm4b:s9+s25] =	stream.strided.scatter [tilespmem:s2], [sflag:$0x6], $0x400, s26, s25, $0x38;
	[tilespmem:$0x1E100] =	vst v63  }
0x334: {  	s2 =	smov.u32 s29;
	s9 =	smov.u32 s30  }
0x335: {  	s10 =	sadd.s32 $0x8000, s30;
	s29 =	sshra.s32 s9, $0x2;
	s9 =	sadd.s32 $0x10100, s2  }
0x336: {  	[hbm4b:s31+s25] =	stream.strided.scatter [tilespmem:s9], [sflag:$0x6], $0x400, s26, s25, $0x38;
	[tilespmem:$0x1E100] =	vst v63  }
0x337: {  	p0 =	sne.s32 s30, $0x18000;
	s30 =	sadd.s32 $0x40, s31;
	s9 =	sadd.s32 $0x10500, s2  }
0x338: {  	[hbm4b:s30+s25] =	stream.strided.scatter [tilespmem:s9], [sflag:$0x6], $0x400, s26, s25, $0x38;
	[tilespmem:$0x1E100] =	vst v63  }
0x339: {  	s9 =	sadd.s32 $0x10900, s2;
	s30 =	sadd.s32 $0x80, s31  }
0x33a: {  	[hbm4b:s30+s25] =	stream.strided.scatter [tilespmem:s9], [sflag:$0x6], $0x400, s26, s25, $0x38;
	[tilespmem:$0x1E100] =	vst v63  }
0x33b: {  	s9 =	sadd.s32 $0x10D00, s2;
	s30 =	sadd.s32 $0xC0, s31  }
0x33c: {  	[hbm4b:s30+s25] =	stream.strided.scatter [tilespmem:s9], [sflag:$0x6], $0x400, s26, s25, $0x38;
	[tilespmem:$0x1E100] =	vst v63  }
0x33d: {  	s9 =	sadd.s32 $0x11100, s2;
	s30 =	sadd.s32 $0x100, s31  }
0x33e: {  	[hbm4b:s30+s25] =	stream.strided.scatter [tilespmem:s9], [sflag:$0x6], $0x400, s26, s25, $0x38;
	[tilespmem:$0x1E100] =	vst v63  }
.Ltmp5:
0x33f: {  	s9 =	sadd.s32 $0x11500, s2;
	s30 =	sadd.s32 $0x140, s31;
	(pc) =	sbr.rel @p0 .LBB2_12-.Ltmp5, $4  }
0x340: {  	[hbm4b:s30+s25] =	stream.strided.scatter [tilespmem:s9], [sflag:$0x6], $0x400, s26, s25, $0x38;
	[tilespmem:$0x1E100] =	vst v63  }
0x341: {  	s9 =	sadd.s32 $0x11900, s2;
	s30 =	sadd.s32 $0x180, s31;
	s2 =	sadd.s32 $0x11D00, s2  }
0x342: {  	[hbm4b:s30+s25] =	stream.strided.scatter [tilespmem:s9], [sflag:$0x6], $0x400, s26, s25, $0x38;
	[tilespmem:$0x1E100] =	vst v63  }
0x343: {  	s9 =	sadd.s32 $0x1C0, s31;
	s31 =	sadd.s32 $0x400, s31;
	s30 =	smov.u32 s10  }
0x344: {  	[hbm4b:s9+s25] =	stream.strided.scatter [tilespmem:s2], [sflag:$0x6], $0x400, s26, s25, $0x38;
	[tilespmem:$0x1E100] =	vst v63  }
0x345: {  	s10 =	sadd.s32 $0x10100, s29  }
0x346: {  	[hbm4b:s31+s25] =	stream.strided.scatter [tilespmem:s10], [sflag:$0x6], $0x400, s26, s25, $0x38;
	[tilespmem:$0x1E100] =	vst v63  }
0x347: {  	s9 =	sadd.s32 $0x10500, s29;
	s10 =	sadd.s32 $0x40, s31  }
0x348: {  	[hbm4b:s10+s25] =	stream.strided.scatter [tilespmem:s9], [sflag:$0x6], $0x400, s26, s25, $0x38;
	[tilespmem:$0x1E100] =	vst v63  }
0x349: {  	s9 =	sadd.s32 $0x10900, s29;
	s10 =	sadd.s32 $0x80, s31  }
0x34a: {  	[hbm4b:s10+s25] =	stream.strided.scatter [tilespmem:s9], [sflag:$0x6], $0x400, s26, s25, $0x38;
	[tilespmem:$0x1E100] =	vst v63  }
0x34b: {  	s9 =	sadd.s32 $0x10D00, s29;
	s10 =	sadd.s32 $0xC0, s31  }
0x34c: {  	[hbm4b:s10+s25] =	stream.strided.scatter [tilespmem:s9], [sflag:$0x6], $0x400, s26, s25, $0x38;
	[tilespmem:$0x1E100] =	vst v63  }
0x34d: {  	s9 =	sadd.s32 $0x11100, s29;
	s10 =	sadd.s32 $0x100, s31  }
0x34e: {  	[hbm4b:s10+s25] =	stream.strided.scatter [tilespmem:s9], [sflag:$0x6], $0x400, s26, s25, $0x38;
	[tilespmem:$0x1E100] =	vst v63  }
0x34f: {  	s9 =	sadd.s32 $0x11500, s29;
	s10 =	sadd.s32 $0x140, s31  }
0x350: {  	[hbm4b:s10+s25] =	stream.strided.scatter [tilespmem:s9], [sflag:$0x6], $0x400, s26, s25, $0x38;
	[tilespmem:$0x1E100] =	vst v63  }
0x351: {  	s9 =	sadd.s32 $0x11900, s29;
	s10 =	sadd.s32 $0x180, s31  }
0x352: {  	[hbm4b:s10+s25] =	stream.strided.scatter [tilespmem:s9], [sflag:$0x6], $0x400, s26, s25, $0x38;
	[tilespmem:$0x1E100] =	vst v63  }
0x353: {  	s9 =	sadd.s32 $0x11D00, s29;
	s10 =	sadd.s32 $0x1C0, s31  }
0x354: {  	[hbm4b:s10+s25] =	stream.strided.scatter [tilespmem:s9], [sflag:$0x6], $0x400, s26, s25, $0x38;
	[tilespmem:$0x1E100] =	vst v63  }
0x355: {  	_ =	swait.ge [sflag:s24], $0x8000  }
0x356: {  	[sflag:s24] =	ssyncset.done $0x0  }
0x357: {  	[sflag:s24] =	ssyncadd.s32 $0xFFFF8000  }
0x358: {  	_ =	swait.ge [sflag:s24], $0x2000  }
0x359: {  	[sflag:s24] =	ssyncset.done $0x0  }
0x35a: {  	s10 =	simm.s32 $0x100;
	[sflag:s24] =	ssyncadd.s32 $0xFFFFE000  }
0x35b: {  	[hbm4b:s22+s25] =	stream.strided.scatter [tilespmem:s10], [sflag:$0x4], $0x400, s26, s25, $0x38;
	[tilespmem:$0x1E100] =	vst v63  }
0x35c: {  	s9 =	simm.s32 $0x500;
	s10 =	sadd.s32 $0x40, s22  }
0x35d: {  	[hbm4b:s10+s25] =	stream.strided.scatter [tilespmem:s9], [sflag:$0x4], $0x400, s26, s25, $0x38;
	[tilespmem:$0x1E100] =	vst v63  }
0x35e: {  	s9 =	simm.s32 $0x900;
	s10 =	sadd.s32 $0x80, s22  }
0x35f: {  	[hbm4b:s10+s25] =	stream.strided.scatter [tilespmem:s9], [sflag:$0x4], $0x400, s26, s25, $0x38;
	[tilespmem:$0x1E100] =	vst v63  }
0x360: {  	s9 =	simm.s32 $0xD00;
	s10 =	sadd.s32 $0xC0, s22  }
0x361: {  	[hbm4b:s10+s25] =	stream.strided.scatter [tilespmem:s9], [sflag:$0x4], $0x400, s26, s25, $0x38;
	[tilespmem:$0x1E100] =	vst v63  }
0x362: {  	s9 =	simm.s32 $0x1100;
	s10 =	sadd.s32 $0x100, s22  }
0x363: {  	[hbm4b:s10+s25] =	stream.strided.scatter [tilespmem:s9], [sflag:$0x4], $0x400, s26, s25, $0x38;
	[tilespmem:$0x1E100] =	vst v63  }
0x364: {  	s30 =	simm.s32 $0x10000;
	s9 =	simm.s32 $0x1500;
	s10 =	sadd.s32 $0x140, s22  }
0x365: {  	[hbm4b:s10+s25] =	stream.strided.scatter [tilespmem:s9], [sflag:$0x4], $0x400, s26, s25, $0x38;
	[tilespmem:$0x1E100] =	vst v63  }
0x366: {  	s2 =	simm.s32 $0x1D00;
	s9 =	simm.s32 $0x1900;
	s10 =	sadd.s32 $0x180, s22  }
0x367: {  	[hbm4b:s10+s25] =	stream.strided.scatter [tilespmem:s9], [sflag:$0x4], $0x400, s26, s25, $0x38;
	[tilespmem:$0x1E100] =	vst v63  }
0x368: {  	s29 =	simm.s32 $0x2000;
	s31 =	sadd.s32 $0x400, s22;
	s9 =	sadd.s32 $0x1C0, s22  }
.LBB2_14:
0x369: {  	[hbm4b:s9+s25] =	stream.strided.scatter [tilespmem:s2], [sflag:$0x4], $0x400, s26, s25, $0x38;
	[tilespmem:$0x1E100] =	vst v63  }
0x36a: {  	s2 =	smov.u32 s29;
	s9 =	smov.u32 s30  }
0x36b: {  	s10 =	sadd.s32 $0x8000, s30;
	s29 =	sshra.s32 s9, $0x2;
	s9 =	sadd.s32 $0x100, s2  }
0x36c: {  	[hbm4b:s31+s25] =	stream.strided.scatter [tilespmem:s9], [sflag:$0x4], $0x400, s26, s25, $0x38;
	[tilespmem:$0x1E100] =	vst v63  }
0x36d: {  	p0 =	sne.s32 s30, $0x18000;
	s30 =	sadd.s32 $0x40, s31;
	s9 =	sadd.s32 $0x500, s2  }
0x36e: {  	[hbm4b:s30+s25] =	stream.strided.scatter [tilespmem:s9], [sflag:$0x4], $0x400, s26, s25, $0x38;
	[tilespmem:$0x1E100] =	vst v63  }
0x36f: {  	s9 =	sadd.s32 $0x900, s2;
	s30 =	sadd.s32 $0x80, s31  }
0x370: {  	[hbm4b:s30+s25] =	stream.strided.scatter [tilespmem:s9], [sflag:$0x4], $0x400, s26, s25, $0x38;
	[tilespmem:$0x1E100] =	vst v63  }
0x371: {  	s9 =	sadd.s32 $0xD00, s2;
	s30 =	sadd.s32 $0xC0, s31  }
0x372: {  	[hbm4b:s30+s25] =	stream.strided.scatter [tilespmem:s9], [sflag:$0x4], $0x400, s26, s25, $0x38;
	[tilespmem:$0x1E100] =	vst v63  }
0x373: {  	s9 =	sadd.s32 $0x1100, s2;
	s30 =	sadd.s32 $0x100, s31  }
0x374: {  	[hbm4b:s30+s25] =	stream.strided.scatter [tilespmem:s9], [sflag:$0x4], $0x400, s26, s25, $0x38;
	[tilespmem:$0x1E100] =	vst v63  }
.Ltmp6:
0x375: {  	s9 =	sadd.s32 $0x1500, s2;
	s30 =	sadd.s32 $0x140, s31;
	(pc) =	sbr.rel @p0 .LBB2_14-.Ltmp6, $4  }
0x376: {  	[hbm4b:s30+s25] =	stream.strided.scatter [tilespmem:s9], [sflag:$0x4], $0x400, s26, s25, $0x38;
	[tilespmem:$0x1E100] =	vst v63  }
0x377: {  	s9 =	sadd.s32 $0x1900, s2;
	s30 =	sadd.s32 $0x180, s31;
	s2 =	sadd.s32 $0x1D00, s2  }
0x378: {  	[hbm4b:s30+s25] =	stream.strided.scatter [tilespmem:s9], [sflag:$0x4], $0x400, s26, s25, $0x38;
	[tilespmem:$0x1E100] =	vst v63  }
0x379: {  	s9 =	sadd.s32 $0x1C0, s31;
	s31 =	sadd.s32 $0x400, s31;
	s30 =	smov.u32 s10  }
0x37a: {  	[hbm4b:s9+s25] =	stream.strided.scatter [tilespmem:s2], [sflag:$0x4], $0x400, s26, s25, $0x38;
	[tilespmem:$0x1E100] =	vst v63  }
0x37b: {  	s10 =	sadd.s32 $0x100, s29  }
0x37c: {  	[hbm4b:s31+s25] =	stream.strided.scatter [tilespmem:s10], [sflag:$0x4], $0x400, s26, s25, $0x38;
	[tilespmem:$0x1E100] =	vst v63  }
0x37d: {  	s9 =	sadd.s32 $0x500, s29;
	s10 =	sadd.s32 $0x40, s31  }
0x37e: {  	[hbm4b:s10+s25] =	stream.strided.scatter [tilespmem:s9], [sflag:$0x4], $0x400, s26, s25, $0x38;
	[tilespmem:$0x1E100] =	vst v63  }
0x37f: {  	s9 =	sadd.s32 $0x900, s29;
	s10 =	sadd.s32 $0x80, s31  }
0x380: {  	[hbm4b:s10+s25] =	stream.strided.scatter [tilespmem:s9], [sflag:$0x4], $0x400, s26, s25, $0x38;
	[tilespmem:$0x1E100] =	vst v63  }
0x381: {  	s9 =	sadd.s32 $0xD00, s29;
	s10 =	sadd.s32 $0xC0, s31  }
0x382: {  	[hbm4b:s10+s25] =	stream.strided.scatter [tilespmem:s9], [sflag:$0x4], $0x400, s26, s25, $0x38;
	[tilespmem:$0x1E100] =	vst v63  }
0x383: {  	s9 =	sadd.s32 $0x1100, s29;
	s10 =	sadd.s32 $0x100, s31  }
0x384: {  	[hbm4b:s10+s25] =	stream.strided.scatter [tilespmem:s9], [sflag:$0x4], $0x400, s26, s25, $0x38;
	[tilespmem:$0x1E100] =	vst v63  }
0x385: {  	s9 =	sadd.s32 $0x1500, s29;
	s10 =	sadd.s32 $0x140, s31  }
0x386: {  	[hbm4b:s10+s25] =	stream.strided.scatter [tilespmem:s9], [sflag:$0x4], $0x400, s26, s25, $0x38;
	[tilespmem:$0x1E100] =	vst v63  }
0x387: {  	s9 =	sadd.s32 $0x1900, s29;
	s10 =	sadd.s32 $0x180, s31  }
0x388: {  	[hbm4b:s10+s25] =	stream.strided.scatter [tilespmem:s9], [sflag:$0x4], $0x400, s26, s25, $0x38;
	[tilespmem:$0x1E100] =	vst v63  }
0x389: {  	s9 =	sadd.s32 $0x1D00, s29;
	s10 =	sadd.s32 $0x1C0, s31  }
0x38a: {  	[hbm4b:s10+s25] =	stream.strided.scatter [tilespmem:s9], [sflag:$0x4], $0x400, s26, s25, $0x38;
	[tilespmem:$0x1E100] =	vst v63  }
0x38b: {  	_ =	swait.ge [sflag:s28], $0x8000  }
0x38c: {  	[sflag:s28] =	ssyncset.done $0x0  }
0x38d: {  	[sflag:s28] =	ssyncadd.s32 $0xFFFF8000  }
0x38e: {  	_ =	swait.ge [sflag:s28], $0x2000  }
0x38f: {  	[sflag:s28] =	ssyncset.done $0x0  }
0x390: {  	s10 =	simm.s32 $0x8100;
	[sflag:s28] =	ssyncadd.s32 $0xFFFFE000  }
0x391: {  	[hbm4b:s23+s25] =	stream.strided.scatter [tilespmem:s10], [sflag:$0x5], $0x400, s26, s25, $0x38;
	[tilespmem:$0x1E100] =	vst v63  }
0x392: {  	s9 =	simm.s32 $0x8500;
	s10 =	sadd.s32 $0x40, s23  }
0x393: {  	[hbm4b:s10+s25] =	stream.strided.scatter [tilespmem:s9], [sflag:$0x5], $0x400, s26, s25, $0x38;
	[tilespmem:$0x1E100] =	vst v63  }
0x394: {  	s9 =	simm.s32 $0x8900;
	s10 =	sadd.s32 $0x80, s23  }
0x395: {  	[hbm4b:s10+s25] =	stream.strided.scatter [tilespmem:s9], [sflag:$0x5], $0x400, s26, s25, $0x38;
	[tilespmem:$0x1E100] =	vst v63  }
0x396: {  	s9 =	simm.s32 $0x8D00;
	s10 =	sadd.s32 $0xC0, s23  }
0x397: {  	[hbm4b:s10+s25] =	stream.strided.scatter [tilespmem:s9], [sflag:$0x5], $0x400, s26, s25, $0x38;
	[tilespmem:$0x1E100] =	vst v63  }
0x398: {  	s9 =	simm.s32 $0x9100;
	s10 =	sadd.s32 $0x100, s23  }
0x399: {  	[hbm4b:s10+s25] =	stream.strided.scatter [tilespmem:s9], [sflag:$0x5], $0x400, s26, s25, $0x38;
	[tilespmem:$0x1E100] =	vst v63  }
0x39a: {  	s30 =	simm.s32 $0x10000;
	s9 =	simm.s32 $0x9500;
	s10 =	sadd.s32 $0x140, s23  }
0x39b: {  	[hbm4b:s10+s25] =	stream.strided.scatter [tilespmem:s9], [sflag:$0x5], $0x400, s26, s25, $0x38;
	[tilespmem:$0x1E100] =	vst v63  }
0x39c: {  	s2 =	simm.s32 $0x9D00;
	s9 =	simm.s32 $0x9900;
	s10 =	sadd.s32 $0x180, s23  }
0x39d: {  	[hbm4b:s10+s25] =	stream.strided.scatter [tilespmem:s9], [sflag:$0x5], $0x400, s26, s25, $0x38;
	[tilespmem:$0x1E100] =	vst v63  }
0x39e: {  	s29 =	simm.s32 $0x2000;
	s31 =	sadd.s32 $0x400, s23;
	s9 =	sadd.s32 $0x1C0, s23  }
.LBB2_16:
0x39f: {  	[hbm4b:s9+s25] =	stream.strided.scatter [tilespmem:s2], [sflag:$0x5], $0x400, s26, s25, $0x38;
	[tilespmem:$0x1E100] =	vst v63  }
0x3a0: {  	s2 =	smov.u32 s29;
	s9 =	smov.u32 s30  }
0x3a1: {  	s10 =	sadd.s32 $0x8000, s30;
	s29 =	sshra.s32 s9, $0x2;
	s9 =	sadd.s32 $0x8100, s2  }
0x3a2: {  	[hbm4b:s31+s25] =	stream.strided.scatter [tilespmem:s9], [sflag:$0x5], $0x400, s26, s25, $0x38;
	[tilespmem:$0x1E100] =	vst v63  }
0x3a3: {  	p0 =	sne.s32 s30, $0x18000;
	s30 =	sadd.s32 $0x40, s31;
	s9 =	sadd.s32 $0x8500, s2  }
0x3a4: {  	[hbm4b:s30+s25] =	stream.strided.scatter [tilespmem:s9], [sflag:$0x5], $0x400, s26, s25, $0x38;
	[tilespmem:$0x1E100] =	vst v63  }
0x3a5: {  	s9 =	sadd.s32 $0x8900, s2;
	s30 =	sadd.s32 $0x80, s31  }
0x3a6: {  	[hbm4b:s30+s25] =	stream.strided.scatter [tilespmem:s9], [sflag:$0x5], $0x400, s26, s25, $0x38;
	[tilespmem:$0x1E100] =	vst v63  }
0x3a7: {  	s9 =	sadd.s32 $0x8D00, s2;
	s30 =	sadd.s32 $0xC0, s31  }
0x3a8: {  	[hbm4b:s30+s25] =	stream.strided.scatter [tilespmem:s9], [sflag:$0x5], $0x400, s26, s25, $0x38;
	[tilespmem:$0x1E100] =	vst v63  }
0x3a9: {  	s9 =	sadd.s32 $0x9100, s2;
	s30 =	sadd.s32 $0x100, s31  }
0x3aa: {  	[hbm4b:s30+s25] =	stream.strided.scatter [tilespmem:s9], [sflag:$0x5], $0x400, s26, s25, $0x38;
	[tilespmem:$0x1E100] =	vst v63  }
.Ltmp7:
0x3ab: {  	s9 =	sadd.s32 $0x9500, s2;
	s30 =	sadd.s32 $0x140, s31;
	(pc) =	sbr.rel @p0 .LBB2_16-.Ltmp7, $4  }
0x3ac: {  	[hbm4b:s30+s25] =	stream.strided.scatter [tilespmem:s9], [sflag:$0x5], $0x400, s26, s25, $0x38;
	[tilespmem:$0x1E100] =	vst v63  }
0x3ad: {  	s9 =	sadd.s32 $0x9900, s2;
	s30 =	sadd.s32 $0x180, s31;
	s2 =	sadd.s32 $0x9D00, s2  }
0x3ae: {  	[hbm4b:s30+s25] =	stream.strided.scatter [tilespmem:s9], [sflag:$0x5], $0x400, s26, s25, $0x38;
	[tilespmem:$0x1E100] =	vst v63  }
0x3af: {  	s9 =	sadd.s32 $0x1C0, s31;
	s31 =	sadd.s32 $0x400, s31;
	s30 =	smov.u32 s10  }
0x3b0: {  	[hbm4b:s9+s25] =	stream.strided.scatter [tilespmem:s2], [sflag:$0x5], $0x400, s26, s25, $0x38;
	[tilespmem:$0x1E100] =	vst v63  }
0x3b1: {  	s9 =	sadd.s32 $0x8100, s29  }
0x3b2: {  	[hbm4b:s31+s25] =	stream.strided.scatter [tilespmem:s9], [sflag:$0x5], $0x400, s26, s25, $0x38;
	[tilespmem:$0x1E100] =	vst v63  }
0x3b3: {  	s10 =	sadd.s32 $0x8500, s29;
	s30 =	sadd.s32 $0x40, s31  }
0x3b4: {  	[hbm4b:s30+s25] =	stream.strided.scatter [tilespmem:s10], [sflag:$0x5], $0x400, s26, s25, $0x38;
	[tilespmem:$0x1E100] =	vst v63  }
0x3b5: {  	s10 =	sadd.s32 $0x8900, s29;
	s30 =	sadd.s32 $0x80, s31  }
0x3b6: {  	[hbm4b:s30+s25] =	stream.strided.scatter [tilespmem:s10], [sflag:$0x5], $0x400, s26, s25, $0x38;
	[tilespmem:$0x1E100] =	vst v63  }
0x3b7: {  	s10 =	sadd.s32 $0x8D00, s29;
	s30 =	sadd.s32 $0xC0, s31  }
0x3b8: {  	[hbm4b:s30+s25] =	stream.strided.scatter [tilespmem:s10], [sflag:$0x5], $0x400, s26, s25, $0x38;
	[tilespmem:$0x1E100] =	vst v63  }
0x3b9: {  	s10 =	sadd.s32 $0x9100, s29;
	s30 =	sadd.s32 $0x100, s31  }
0x3ba: {  	[hbm4b:s30+s25] =	stream.strided.scatter [tilespmem:s10], [sflag:$0x5], $0x400, s26, s25, $0x38;
	[tilespmem:$0x1E100] =	vst v63  }
0x3bb: {  	s10 =	sadd.s32 $0x9500, s29;
	s30 =	sadd.s32 $0x140, s31  }
0x3bc: {  	[hbm4b:s30+s25] =	stream.strided.scatter [tilespmem:s10], [sflag:$0x5], $0x400, s26, s25, $0x38;
	[tilespmem:$0x1E100] =	vst v63  }
0x3bd: {  	s9 =	sadd.s32 $0x9900, s29;
	s10 =	sadd.s32 $0x180, s31  }
0x3be: {  	[hbm4b:s10+s25] =	stream.strided.scatter [tilespmem:s9], [sflag:$0x5], $0x400, s26, s25, $0x38;
	[tilespmem:$0x1E100] =	vst v63  }
0x3bf: {  	s30 =	sadd.s32 $0x9D00, s29;
	s31 =	sadd.s32 $0x1C0, s31;
	s10 =	simm.s32 $0x6  }
0x3c0: {  	[hbm4b:s31+s25] =	stream.strided.scatter [tilespmem:s30], [sflag:$0x5], $0x400, s26, s25, $0x38;
	[tilespmem:$0x1E100] =	vst v63  }
0x3c1: {  	_ =	swait.ge [sflag:s10], $0x8000  }
0x3c2: {  	[sflag:s10] =	ssyncset.done $0x0  }
0x3c3: {  	s29 =	simm.s32 $0x4;
	[sflag:s10] =	ssyncadd.s32 $0xFFFF8000  }
0x3c4: {  	_ =	swait.ge [sflag:s29], $0x8000  }
0x3c5: {  	[sflag:s29] =	ssyncset.done $0x0  }
0x3c6: {  	s30 =	simm.s32 $0x5;
	[sflag:s29] =	ssyncadd.s32 $0xFFFF8000  }
0x3c7: {  	_ =	swait.ge [sflag:s30], $0x8000  }
0x3c8: {  	s10 =	rddreg [dreg:$0x9]  }
0x3c9: {  	s31 =	rddreg [dreg:$0x8];
	s10 =	sadd.s32 $0x1, s10  }
0x3ca: {  	p0 =	sne.s32 s10, s31  }
.Ltmp8:
0x3cb: {  	_ = 	snop;
	(pc) =	sbr.rel @p0 .LBB2_1-.Ltmp8, $3  }
0x3cc: {  	_ =	sdelay $0x1  }
0x3cd: {  	[sflag:s30] =	ssyncset.done $0x0  }
0x3ce: {  	[sflag:s30] =	ssyncadd.s32 $0xFFFF8000  }
0x3cf: {  	_ =	sfence.sel $0x180000  }
0x3d0: {  	[bflag:$0x0] =	sbarrier.arrive $0xFFFF  }
0x3d1: {  	_ =	strace $0x90000047  }
0x3d2: {  	s0 =	stileid.u32;
	[bflag:$0x2] =	sbarrier.arrive $0xFFFF  }
0x3d3: {  	p0 =	sne.s32 s0, $0x0;
	s0 =	rddreg [dreg:$0x4]  }
0x3d4: {  	s0 =	sadd.s32 @!p0 $0x100000, s0  }
0x3d5: {  	[sflag:s0] =	ssyncadd.tile.s32 @!p0 $0x1;
	_ =	shalt  }
.Lfunc_end2:
_tile_overlayer_lowered:
.L_overlay_start_2:
0x3d6: {  	(tag) =	ssettag $0x2  }
0x3d7: {  	s0 =	rddreg [dreg:$0x0];
	s2 =	stileid.u32  }
0x3d8: {  	s1 =	rddreg [dreg:$0x1];
	p0 =	sne.s32 s2, $0x0  }
0x3d9: {  	s3 =	rddreg [dreg:$0x2];
	[bflag:$0x3] =	sbarrier.arrive $0xFFFF;
	s2 =	simm.s32 @!p0 $0x1C07  }
0x3da: {  	[timem:s3], [sflag:s2] =	dma.local @!p0 [hbm:s0], s1  }
0x3db: {  	s0 =	simm.s32 @!p0 $0x7  }
0x3dc: {  	_ =	swait.ge @!p0 [sflag:s0], s1  }
0x3dd: {  	s1 =	ssub.s32 @!p0 $0x0, s1;
	[sflag:s0] =	ssyncset.done @!p0 $0x0  }
0x3de: {  	[sflag:s0] =	ssyncadd.s32 @!p0 s1  }
0x3df: {  	[bflag:$0x3] =	sbarrier.arrive $0xFFFF  }
0x3e0: {  	_ =	shalt  }

</sc_bundles>
